<compile_context>
chip_gen: v7x
topology: tpu7x:2x2x1
jax: 0.10.2.dev20260603
libtpu: 0.0.44.dev20260713+nightly
codegen_flags: <defaults>
</compile_context>

<pallas_src>
import functools

import jax
import jax.numpy as jnp
from jax import lax
from jax.experimental import pallas as pl
from jax.experimental.pallas import tpu as pltpu
from jax.experimental.pallas import tpu_sc as plsc

NC, NS, LANES = 2, 16, 16
NW = NC * NS


def _body(B, L, D, rows_per_w, CH, hs_hbm, perm_hbm, shifts_hbm, out_hbm,
          perm_v, shifts_v, bufs, idx_sem, gsems, wsems):
    wid = lax.axis_index("s") * NC + lax.axis_index("c")
    base_row = wid * rows_per_w
    b = base_row // L
    r0 = base_row % L

    pltpu.async_copy(perm_hbm, perm_v, idx_sem)
    pltpu.async_copy(shifts_hbm, shifts_v, idx_sem)
    pltpu.make_async_copy(perm_hbm, perm_v, idx_sem).wait()
    pltpu.make_async_copy(shifts_hbm, shifts_v, idx_sem).wait()
    shift = plsc.load_gather(shifts_v, [jnp.full((LANES,), b, jnp.int32)])
    row_base = b * L

    nchunks = rows_per_w // CH
    nbuf = len(bufs)
    lanes = lax.iota(jnp.int32, LANES)

    def fire_gather(c, slot):
        pos = (lanes + shift + (r0 + c * CH)) & (L - 1)
        gidx = plsc.load_gather(perm_v, [pos]) + row_base
        pltpu.async_copy(hs_hbm.at[gidx], bufs[slot], gsems[slot])

    def wait_gather(slot):
        pltpu.make_async_copy(hs_hbm.at[pl.ds(0, CH)], bufs[slot],
                              gsems[slot]).wait()

    def fire_write(c, slot):
        pltpu.async_copy(
            bufs[slot], out_hbm.at[pl.ds(base_row + c * CH, CH)], wsems[slot])

    def wait_write(slot):
        pltpu.make_async_copy(bufs[slot], out_hbm.at[pl.ds(base_row, CH)],
                              wsems[slot]).wait()

    for s in range(min(nbuf, nchunks)):
        fire_gather(s, s)

    ncycles = -(-nchunks // nbuf)

    def ring_body(i, _):
        for s in range(nbuf):
            c = i * nbuf + s

            @pl.when(c < nchunks)
            def _():
                wait_gather(s)
                fire_write(c, s)

            @pl.when(c + nbuf < nchunks)
            def _():
                wait_write(s)
                fire_gather(c + nbuf, s)
        return ()

    lax.fori_loop(0, ncycles, ring_body, ())
    for s in range(min(nbuf, nchunks)):
        wait_write(s)


def kernel(hidden_states, base_perm, shifts):
    B, L, D = hidden_states.shape
    assert (B * L) % NW == 0 and L & (L - 1) == 0
    rows_per_w = (B * L) // NW
    CH = LANES
    NBUF = 7

    hs2 = hidden_states.reshape(B * L, D)
    perm = base_perm.astype(jnp.int32)
    shifts_i = shifts.astype(jnp.int32)

    mesh = plsc.VectorSubcoreMesh(core_axis_name="c", subcore_axis_name="s")
    run = pl.kernel(
        functools.partial(_body, B, L, D, rows_per_w, CH),
        out_type=jax.ShapeDtypeStruct((B * L, D), jnp.float32),
        mesh=mesh,
        scratch_types=[
            pltpu.VMEM((L,), jnp.int32),
            pltpu.VMEM((B,), jnp.int32),
            [pltpu.VMEM((CH, D), jnp.float32) for _ in range(NBUF)],
            pltpu.SemaphoreType.DMA,
            [pltpu.SemaphoreType.DMA for _ in range(NBUF)],
            [pltpu.SemaphoreType.DMA for _ in range(NBUF)],
        ],
        compiler_params=pltpu.CompilerParams(needs_layout_passes=False),
    )
    out = run(hs2, perm, shifts_i)
    return out.reshape(B, L, D)

# --- scband reference (transcript-rebuilt; emitter-appended) ---
"""Pipeline reference for scband-batch-random-scan-51857435132508 (READ-ONLY COPY).

The authoritative reference and input builder live on the scoring server;
editing this copy changes nothing except your own understanding.
"""

import jax, jax.numpy as jnp
import numpy as np


def setup_inputs(seed: int = 0) -> dict:
    key = jax.random.key(seed)
    k1, k2, k3 = jax.random.split(key, 3)
    B, L, D = 4, 8192, 1024
    hidden_states = jax.random.normal(k1, (B, L, D), dtype=jnp.float32)
    # Randomness generated inside torch forward is materialized here deterministically
    base_perm = jax.random.permutation(k2, L).astype(jnp.int64)
    shifts = jax.random.randint(k3, (B,), 0, L, dtype=jnp.int64)
    return {"hidden_states": hidden_states, "base_perm": base_perm, "shifts": shifts}


def reference(hidden_states, base_perm, shifts):
    B, L, D = hidden_states.shape
    indices = jnp.broadcast_to(jnp.arange(L, dtype=shifts.dtype)[None, :], (B, L))
    shifted_indices = (indices + shifts[:, None]) % L
    random_indices = jnp.take_along_axis(
        jnp.broadcast_to(base_perm[None, :], (B, L)), shifted_indices, axis=1
    )
    reordered = jnp.take_along_axis(hidden_states, random_indices[:, :, None], axis=1)
    return reordered

if __name__ == "__main__":
    import jax
    _d = setup_inputs()
    print(jax.jit(kernel)(*tuple(_d.values())))

</pallas_src>

<mosaic_0001>
#map = affine_map<(d0, d1) -> (0, 0)>
#map1 = affine_map<(d0, d1) -> (0)>
module attributes {stable_mosaic.version = 14 : i64} {
  func.func @_body(%arg0: i32, %arg1: i32, %arg2: memref<32768x1024xf32, #tpu.memory_space<hbm>>, %arg3: memref<8192xi32, #tpu.memory_space<hbm>>, %arg4: memref<4xi32, #tpu.memory_space<hbm>>, %arg5: memref<32768x1024xf32, #tpu.memory_space<hbm>>, %arg6: memref<8192xi32, #tpu.memory_space<vmem>>, %arg7: memref<4xi32, #tpu.memory_space<vmem>>, %arg8: memref<16x1024xf32, #tpu.memory_space<vmem>>, %arg9: memref<16x1024xf32, #tpu.memory_space<vmem>>, %arg10: memref<16x1024xf32, #tpu.memory_space<vmem>>, %arg11: memref<16x1024xf32, #tpu.memory_space<vmem>>, %arg12: memref<16x1024xf32, #tpu.memory_space<vmem>>, %arg13: memref<16x1024xf32, #tpu.memory_space<vmem>>, %arg14: memref<16x1024xf32, #tpu.memory_space<vmem>>, %arg15: memref<!tpu.dma_semaphore, #tpu.memory_space<semaphore_mem>>, %arg16: memref<!tpu.dma_semaphore, #tpu.memory_space<semaphore_mem>>, %arg17: memref<!tpu.dma_semaphore, #tpu.memory_space<semaphore_mem>>, %arg18: memref<!tpu.dma_semaphore, #tpu.memory_space<semaphore_mem>>, %arg19: memref<!tpu.dma_semaphore, #tpu.memory_space<semaphore_mem>>, %arg20: memref<!tpu.dma_semaphore, #tpu.memory_space<semaphore_mem>>, %arg21: memref<!tpu.dma_semaphore, #tpu.memory_space<semaphore_mem>>, %arg22: memref<!tpu.dma_semaphore, #tpu.memory_space<semaphore_mem>>, %arg23: memref<!tpu.dma_semaphore, #tpu.memory_space<semaphore_mem>>, %arg24: memref<!tpu.dma_semaphore, #tpu.memory_space<semaphore_mem>>, %arg25: memref<!tpu.dma_semaphore, #tpu.memory_space<semaphore_mem>>, %arg26: memref<!tpu.dma_semaphore, #tpu.memory_space<semaphore_mem>>, %arg27: memref<!tpu.dma_semaphore, #tpu.memory_space<semaphore_mem>>, %arg28: memref<!tpu.dma_semaphore, #tpu.memory_space<semaphore_mem>>, %arg29: memref<!tpu.dma_semaphore, #tpu.memory_space<semaphore_mem>>) attributes {dimension_semantics = [#tpu.dimension_semantics<core_parallel>, #tpu.dimension_semantics<subcore_parallel>], iteration_bounds = array<i64: 2, 16>, scalar_prefetch = 0 : i64, scratch_operands = 24 : i64, tpu.core_type = #tpu.core_type<sc_vector_subcore>, window_params = [{transform_indices = #map}, {transform_indices = #map1}, {transform_indices = #map1}, {transform_indices = #map}]} {
    %mul3A = arith.constant 2 : i32
    %mul3A_0 = arith.muli %arg1, %mul3A : i32
    %add3A = arith.addi %mul3A_0, %arg0 : i32
    %mul3A_1 = arith.constant 1024 : i32
    %mul3A_2 = arith.muli %add3A, %mul3A_1 : i32
    %jit3A = arith.constant 8192 : i32
    %div3A = arith.divsi %mul3A_2, %jit3A : i32
    %sign3A = arith.constant 0 : i32
    %sign3A_3 = arith.cmpi sgt, %mul3A_2, %sign3A : i32
    %sign3A_4 = arith.extui %sign3A_3 : i1 to i32
    %sign3A_5 = arith.constant 0 : i32
    %sign3A_6 = arith.cmpi slt, %mul3A_2, %sign3A_5 : i32
    %sign3A_7 = arith.extui %sign3A_6 : i1 to i32
    %sign3A_8 = arith.subi %sign3A_4, %sign3A_7 : i32
    %sign3A_9 = arith.constant 0 : i32
    %sign3A_10 = arith.cmpi sgt, %jit3A, %sign3A_9 : i32
    %sign3A_11 = arith.extui %sign3A_10 : i1 to i32
    %sign3A_12 = arith.constant 0 : i32
    %sign3A_13 = arith.cmpi slt, %jit3A, %sign3A_12 : i32
    %sign3A_14 = arith.extui %sign3A_13 : i1 to i32
    %sign3A_15 = arith.subi %sign3A_11, %sign3A_14 : i32
    %ne3A = arith.cmpi ne, %sign3A_8, %sign3A_15 : i32
    %rem3A = arith.remsi %mul3A_2, %jit3A : i32
    %ne3A_16 = arith.constant 0 : i32
    %ne3A_17 = arith.cmpi ne, %rem3A, %ne3A_16 : i32
    %and3A = arith.andi %ne3A, %ne3A_17 : i1
    %sub3A = arith.constant 1 : i32
    %sub3A_18 = arith.subi %div3A, %sub3A : i32
    %select_n3A = arith.select %and3A, %sub3A_18, %div3A : i32
    %jit3A_19 = arith.constant 8192 : i32
    %eq3A = arith.constant 0 : i32
    %eq3A_20 = arith.cmpi eq, %jit3A_19, %eq3A : i32
    %jit3A_21 = arith.constant 1 : i32
    %select_n3A_22 = arith.select %eq3A_20, %jit3A_21, %jit3A_19 : i32
    %rem3A_23 = arith.remsi %mul3A_2, %select_n3A_22 : i32
    %ne3A_24 = arith.constant 0 : i32
    %ne3A_25 = arith.cmpi ne, %rem3A_23, %ne3A_24 : i32
    %lt3A = arith.constant 0 : i32
    %lt3A_26 = arith.cmpi slt, %rem3A_23, %lt3A : i32
    %lt3A_27 = arith.constant 0 : i32
    %lt3A_28 = arith.cmpi slt, %select_n3A_22, %lt3A_27 : i32
    %ne3A_29 = arith.xori %lt3A_26, %lt3A_28 : i1
    %and3A_30 = arith.andi %ne3A_29, %ne3A_25 : i1
    %add3A_31 = arith.addi %rem3A_23, %select_n3A_22 : i32
    %select_n3A_32 = arith.select %and3A_30, %add3A_31, %rem3A_23 : i32
    tpu.enqueue_dma source(%arg3 : memref<8192xi32, #tpu.memory_space<hbm>>) target(%arg6 : memref<8192xi32, #tpu.memory_space<vmem>>) target_semaphore(%arg15 : memref<!tpu.dma_semaphore, #tpu.memory_space<semaphore_mem>>)
    tpu.enqueue_dma source(%arg4 : memref<4xi32, #tpu.memory_space<hbm>>) target(%arg7 : memref<4xi32, #tpu.memory_space<vmem>>) target_semaphore(%arg15 : memref<!tpu.dma_semaphore, #tpu.memory_space<semaphore_mem>>)
    tpu.wait_dma2 semaphore(%arg15 : memref<!tpu.dma_semaphore, #tpu.memory_space<semaphore_mem>>) src(%arg3 : memref<8192xi32, #tpu.memory_space<hbm>>) dst(%arg6 : memref<8192xi32, #tpu.memory_space<vmem>>)
    tpu.wait_dma2 semaphore(%arg15 : memref<!tpu.dma_semaphore, #tpu.memory_space<semaphore_mem>>) src(%arg4 : memref<4xi32, #tpu.memory_space<hbm>>) dst(%arg7 : memref<4xi32, #tpu.memory_space<vmem>>)
    %broadcast_in_dim3A = vector.broadcast %select_n3A : i32 to vector<16xi32>
    %gather3A = tpu.vector_load_idx %arg7[%broadcast_in_dim3A] : memref<4xi32, #tpu.memory_space<vmem>>[vector<16xi32>], vector<16xi32>,
    %mul3A_33 = arith.constant 8192 : i32
    %mul3A_34 = arith.muli %select_n3A, %mul3A_33 : i32
    %iota3A = tpu.iota {dimensions = array<i32: 0>} : vector<16xi32>
    %add3A_35 = arith.addi %iota3A, %gather3A : vector<16xi32>
    %add3A_36 = arith.constant 0 : i32
    %add3A_37 = arith.addi %select_n3A_32, %add3A_36 : i32
    %add3A_38 = vector.broadcast %add3A_37 : i32 to vector<16xi32>
    %add3A_39 = arith.addi %add3A_35, %add3A_38 : vector<16xi32>
    %and3A_40 = arith.constant 8191 : i32
    %and3A_41 = vector.broadcast %and3A_40 : i32 to vector<16xi32>
    %and3A_42 = arith.andi %add3A_39, %and3A_41 : vector<16xi32>
    %gather3A_43 = tpu.vector_load_idx %arg6[%and3A_42] : memref<8192xi32, #tpu.memory_space<vmem>>[vector<16xi32>], vector<16xi32>,
    %add3A_44 = vector.broadcast %mul3A_34 : i32 to vector<16xi32>
    %add3A_45 = arith.addi %gather3A_43, %add3A_44 : vector<16xi32>
    %dma_start3A = arith.constant 0 : i32
    %dma_start3A_46 = arith.constant 0 : i32
    %dma_start3A_47 = tpu.memref_slice %arg2[%dma_start3A, %dma_start3A_46] : memref<32768x1024xf32, #tpu.memory_space<hbm>> -> memref<32768x1024xf32, #tpu.memory_space<hbm>>
    tpu.enqueue_indirect_dma source(%dma_start3A_47 : memref<32768x1024xf32, #tpu.memory_space<hbm>>) target(%arg8 : memref<16x1024xf32, #tpu.memory_space<vmem>>) offsets(%add3A_45 : vector<16xi32>) semaphore(%arg16 : memref<!tpu.dma_semaphore, #tpu.memory_space<semaphore_mem>>)
    %add3A_48 = arith.addi %iota3A, %gather3A : vector<16xi32>
    %add3A_49 = arith.constant 16 : i32
    %add3A_50 = arith.addi %select_n3A_32, %add3A_49 : i32
    %add3A_51 = vector.broadcast %add3A_50 : i32 to vector<16xi32>
    %add3A_52 = arith.addi %add3A_48, %add3A_51 : vector<16xi32>
    %and3A_53 = arith.constant 8191 : i32
    %and3A_54 = vector.broadcast %and3A_53 : i32 to vector<16xi32>
    %and3A_55 = arith.andi %add3A_52, %and3A_54 : vector<16xi32>
    %gather3A_56 = tpu.vector_load_idx %arg6[%and3A_55] : memref<8192xi32, #tpu.memory_space<vmem>>[vector<16xi32>], vector<16xi32>,
    %add3A_57 = vector.broadcast %mul3A_34 : i32 to vector<16xi32>
    %add3A_58 = arith.addi %gather3A_56, %add3A_57 : vector<16xi32>
    %dma_start3A_59 = arith.constant 0 : i32
    %dma_start3A_60 = arith.constant 0 : i32
    %dma_start3A_61 = tpu.memref_slice %arg2[%dma_start3A_59, %dma_start3A_60] : memref<32768x1024xf32, #tpu.memory_space<hbm>> -> memref<32768x1024xf32, #tpu.memory_space<hbm>>
    tpu.enqueue_indirect_dma source(%dma_start3A_61 : memref<32768x1024xf32, #tpu.memory_space<hbm>>) target(%arg9 : memref<16x1024xf32, #tpu.memory_space<vmem>>) offsets(%add3A_58 : vector<16xi32>) semaphore(%arg17 : memref<!tpu.dma_semaphore, #tpu.memory_space<semaphore_mem>>)
    %add3A_62 = arith.addi %iota3A, %gather3A : vector<16xi32>
    %add3A_63 = arith.constant 32 : i32
    %add3A_64 = arith.addi %select_n3A_32, %add3A_63 : i32
    %add3A_65 = vector.broadcast %add3A_64 : i32 to vector<16xi32>
    %add3A_66 = arith.addi %add3A_62, %add3A_65 : vector<16xi32>
    %and3A_67 = arith.constant 8191 : i32
    %and3A_68 = vector.broadcast %and3A_67 : i32 to vector<16xi32>
    %and3A_69 = arith.andi %add3A_66, %and3A_68 : vector<16xi32>
    %gather3A_70 = tpu.vector_load_idx %arg6[%and3A_69] : memref<8192xi32, #tpu.memory_space<vmem>>[vector<16xi32>], vector<16xi32>,
    %add3A_71 = vector.broadcast %mul3A_34 : i32 to vector<16xi32>
    %add3A_72 = arith.addi %gather3A_70, %add3A_71 : vector<16xi32>
    %dma_start3A_73 = arith.constant 0 : i32
    %dma_start3A_74 = arith.constant 0 : i32
    %dma_start3A_75 = tpu.memref_slice %arg2[%dma_start3A_73, %dma_start3A_74] : memref<32768x1024xf32, #tpu.memory_space<hbm>> -> memref<32768x1024xf32, #tpu.memory_space<hbm>>
    tpu.enqueue_indirect_dma source(%dma_start3A_75 : memref<32768x1024xf32, #tpu.memory_space<hbm>>) target(%arg10 : memref<16x1024xf32, #tpu.memory_space<vmem>>) offsets(%add3A_72 : vector<16xi32>) semaphore(%arg18 : memref<!tpu.dma_semaphore, #tpu.memory_space<semaphore_mem>>)
    %add3A_76 = arith.addi %iota3A, %gather3A : vector<16xi32>
    %add3A_77 = arith.constant 48 : i32
    %add3A_78 = arith.addi %select_n3A_32, %add3A_77 : i32
    %add3A_79 = vector.broadcast %add3A_78 : i32 to vector<16xi32>
    %add3A_80 = arith.addi %add3A_76, %add3A_79 : vector<16xi32>
    %and3A_81 = arith.constant 8191 : i32
    %and3A_82 = vector.broadcast %and3A_81 : i32 to vector<16xi32>
    %and3A_83 = arith.andi %add3A_80, %and3A_82 : vector<16xi32>
    %gather3A_84 = tpu.vector_load_idx %arg6[%and3A_83] : memref<8192xi32, #tpu.memory_space<vmem>>[vector<16xi32>], vector<16xi32>,
    %add3A_85 = vector.broadcast %mul3A_34 : i32 to vector<16xi32>
    %add3A_86 = arith.addi %gather3A_84, %add3A_85 : vector<16xi32>
    %dma_start3A_87 = arith.constant 0 : i32
    %dma_start3A_88 = arith.constant 0 : i32
    %dma_start3A_89 = tpu.memref_slice %arg2[%dma_start3A_87, %dma_start3A_88] : memref<32768x1024xf32, #tpu.memory_space<hbm>> -> memref<32768x1024xf32, #tpu.memory_space<hbm>>
    tpu.enqueue_indirect_dma source(%dma_start3A_89 : memref<32768x1024xf32, #tpu.memory_space<hbm>>) target(%arg11 : memref<16x1024xf32, #tpu.memory_space<vmem>>) offsets(%add3A_86 : vector<16xi32>) semaphore(%arg19 : memref<!tpu.dma_semaphore, #tpu.memory_space<semaphore_mem>>)
    %add3A_90 = arith.addi %iota3A, %gather3A : vector<16xi32>
    %add3A_91 = arith.constant 64 : i32
    %add3A_92 = arith.addi %select_n3A_32, %add3A_91 : i32
    %add3A_93 = vector.broadcast %add3A_92 : i32 to vector<16xi32>
    %add3A_94 = arith.addi %add3A_90, %add3A_93 : vector<16xi32>
    %and3A_95 = arith.constant 8191 : i32
    %and3A_96 = vector.broadcast %and3A_95 : i32 to vector<16xi32>
    %and3A_97 = arith.andi %add3A_94, %and3A_96 : vector<16xi32>
    %gather3A_98 = tpu.vector_load_idx %arg6[%and3A_97] : memref<8192xi32, #tpu.memory_space<vmem>>[vector<16xi32>], vector<16xi32>,
    %add3A_99 = vector.broadcast %mul3A_34 : i32 to vector<16xi32>
    %add3A_100 = arith.addi %gather3A_98, %add3A_99 : vector<16xi32>
    %dma_start3A_101 = arith.constant 0 : i32
    %dma_start3A_102 = arith.constant 0 : i32
    %dma_start3A_103 = tpu.memref_slice %arg2[%dma_start3A_101, %dma_start3A_102] : memref<32768x1024xf32, #tpu.memory_space<hbm>> -> memref<32768x1024xf32, #tpu.memory_space<hbm>>
    tpu.enqueue_indirect_dma source(%dma_start3A_103 : memref<32768x1024xf32, #tpu.memory_space<hbm>>) target(%arg12 : memref<16x1024xf32, #tpu.memory_space<vmem>>) offsets(%add3A_100 : vector<16xi32>) semaphore(%arg20 : memref<!tpu.dma_semaphore, #tpu.memory_space<semaphore_mem>>)
    %add3A_104 = arith.addi %iota3A, %gather3A : vector<16xi32>
    %add3A_105 = arith.constant 80 : i32
    %add3A_106 = arith.addi %select_n3A_32, %add3A_105 : i32
    %add3A_107 = vector.broadcast %add3A_106 : i32 to vector<16xi32>
    %add3A_108 = arith.addi %add3A_104, %add3A_107 : vector<16xi32>
    %and3A_109 = arith.constant 8191 : i32
    %and3A_110 = vector.broadcast %and3A_109 : i32 to vector<16xi32>
    %and3A_111 = arith.andi %add3A_108, %and3A_110 : vector<16xi32>
    %gather3A_112 = tpu.vector_load_idx %arg6[%and3A_111] : memref<8192xi32, #tpu.memory_space<vmem>>[vector<16xi32>], vector<16xi32>,
    %add3A_113 = vector.broadcast %mul3A_34 : i32 to vector<16xi32>
    %add3A_114 = arith.addi %gather3A_112, %add3A_113 : vector<16xi32>
    %dma_start3A_115 = arith.constant 0 : i32
    %dma_start3A_116 = arith.constant 0 : i32
    %dma_start3A_117 = tpu.memref_slice %arg2[%dma_start3A_115, %dma_start3A_116] : memref<32768x1024xf32, #tpu.memory_space<hbm>> -> memref<32768x1024xf32, #tpu.memory_space<hbm>>
    tpu.enqueue_indirect_dma source(%dma_start3A_117 : memref<32768x1024xf32, #tpu.memory_space<hbm>>) target(%arg13 : memref<16x1024xf32, #tpu.memory_space<vmem>>) offsets(%add3A_114 : vector<16xi32>) semaphore(%arg21 : memref<!tpu.dma_semaphore, #tpu.memory_space<semaphore_mem>>)
    %add3A_118 = arith.addi %iota3A, %gather3A : vector<16xi32>
    %add3A_119 = arith.constant 96 : i32
    %add3A_120 = arith.addi %select_n3A_32, %add3A_119 : i32
    %add3A_121 = vector.broadcast %add3A_120 : i32 to vector<16xi32>
    %add3A_122 = arith.addi %add3A_118, %add3A_121 : vector<16xi32>
    %and3A_123 = arith.constant 8191 : i32
    %and3A_124 = vector.broadcast %and3A_123 : i32 to vector<16xi32>
    %and3A_125 = arith.andi %add3A_122, %and3A_124 : vector<16xi32>
    %gather3A_126 = tpu.vector_load_idx %arg6[%and3A_125] : memref<8192xi32, #tpu.memory_space<vmem>>[vector<16xi32>], vector<16xi32>,
    %add3A_127 = vector.broadcast %mul3A_34 : i32 to vector<16xi32>
    %add3A_128 = arith.addi %gather3A_126, %add3A_127 : vector<16xi32>
    %dma_start3A_129 = arith.constant 0 : i32
    %dma_start3A_130 = arith.constant 0 : i32
    %dma_start3A_131 = tpu.memref_slice %arg2[%dma_start3A_129, %dma_start3A_130] : memref<32768x1024xf32, #tpu.memory_space<hbm>> -> memref<32768x1024xf32, #tpu.memory_space<hbm>>
    tpu.enqueue_indirect_dma source(%dma_start3A_131 : memref<32768x1024xf32, #tpu.memory_space<hbm>>) target(%arg14 : memref<16x1024xf32, #tpu.memory_space<vmem>>) offsets(%add3A_128 : vector<16xi32>) semaphore(%arg22 : memref<!tpu.dma_semaphore, #tpu.memory_space<semaphore_mem>>)
    %scan3A = arith.constant 0 : i32
    %scan3A_132 = arith.constant 10 : i32
    %scan3A_133 = arith.addi %scan3A, %scan3A_132 : i32
    %scan3A_134 = arith.constant 1 : i32
    scf.for %scan3A_163 = %scan3A to %scan3A_133 step %scan3A_134  : i32 {
      %mul3A_164 = arith.constant 7 : i32
      %mul3A_165 = arith.muli %scan3A_163, %mul3A_164 : i32
      %add3A_166 = arith.constant 0 : i32
      %add3A_167 = arith.addi %mul3A_165, %add3A_166 : i32
      %lt3A_168 = arith.constant 64 : i32
      %lt3A_169 = arith.cmpi slt, %add3A_167, %lt3A_168 : i32
      %convert_element_type3A = arith.extui %lt3A_169 : i1 to i32
      %cond3A = arith.constant 0 : i32
      %cond3A_170 = arith.cmpi ne, %convert_element_type3A, %cond3A : i32
      scf.if %cond3A_170 {
        %dma_wait3A_274 = arith.constant 0 : i32
        %dma_wait3A_275 = arith.constant 0 : i32
        %dma_wait3A_276 = tpu.memref_slice %arg2[%dma_wait3A_274, %dma_wait3A_275] : memref<32768x1024xf32, #tpu.memory_space<hbm>> -> memref<16x1024xf32, #tpu.memory_space<hbm>>
        %dma_wait3A_277 = arith.constant 0 : i32
        %dma_wait3A_278 = arith.constant 0 : i32
        %dma_wait3A_279 = tpu.memref_slice %arg2[%dma_wait3A_277, %dma_wait3A_278] : memref<32768x1024xf32, #tpu.memory_space<hbm>> -> memref<16x1024xf32, #tpu.memory_space<hbm>>
        tpu.wait_dma2 semaphore(%arg16 : memref<!tpu.dma_semaphore, #tpu.memory_space<semaphore_mem>>) src(%dma_wait3A_279 : memref<16x1024xf32, #tpu.memory_space<hbm>>) dst(%arg8 : memref<16x1024xf32, #tpu.memory_space<vmem>>)
        %mul3A_280 = arith.constant 16 : i32
        %mul3A_281 = arith.muli %add3A_167, %mul3A_280 : i32
        %add3A_282 = arith.addi %mul3A_2, %mul3A_281 : i32
        %dma_start3A_283 = arith.constant 0 : i32
        %dma_start3A_284 = tpu.memref_slice %arg5[%add3A_282, %dma_start3A_283] : memref<32768x1024xf32, #tpu.memory_space<hbm>> -> memref<16x1024xf32, #tpu.memory_space<hbm>>
        %dma_start3A_285 = arith.constant 0 : i32
        %dma_start3A_286 = tpu.memref_slice %arg5[%add3A_282, %dma_start3A_285] : memref<32768x1024xf32, #tpu.memory_space<hbm>> -> memref<16x1024xf32, #tpu.memory_space<hbm>>
        tpu.enqueue_dma source(%arg8 : memref<16x1024xf32, #tpu.memory_space<vmem>>) target(%dma_start3A_286 : memref<16x1024xf32, #tpu.memory_space<hbm>>) target_semaphore(%arg23 : memref<!tpu.dma_semaphore, #tpu.memory_space<semaphore_mem>>)
      } else {
      }
      %add3A_171 = arith.constant 7 : i32
      %add3A_172 = arith.addi %add3A_167, %add3A_171 : i32
      %lt3A_173 = arith.constant 64 : i32
      %lt3A_174 = arith.cmpi slt, %add3A_172, %lt3A_173 : i32
      %convert_element_type3A_175 = arith.extui %lt3A_174 : i1 to i32
      %cond3A_176 = arith.constant 0 : i32
      %cond3A_177 = arith.cmpi ne, %convert_element_type3A_175, %cond3A_176 : i32
      scf.if %cond3A_177 {
        %dma_wait3A_274 = arith.constant 0 : i32
        %dma_wait3A_275 = tpu.memref_slice %arg5[%mul3A_2, %dma_wait3A_274] : memref<32768x1024xf32, #tpu.memory_space<hbm>> -> memref<16x1024xf32, #tpu.memory_space<hbm>>
        %dma_wait3A_276 = arith.constant 0 : i32
        %dma_wait3A_277 = tpu.memref_slice %arg5[%mul3A_2, %dma_wait3A_276] : memref<32768x1024xf32, #tpu.memory_space<hbm>> -> memref<16x1024xf32, #tpu.memory_space<hbm>>
        tpu.wait_dma2 semaphore(%arg23 : memref<!tpu.dma_semaphore, #tpu.memory_space<semaphore_mem>>) src(%arg8 : memref<16x1024xf32, #tpu.memory_space<vmem>>) dst(%dma_wait3A_277 : memref<16x1024xf32, #tpu.memory_space<hbm>>)
        %add3A_278 = arith.constant 7 : i32
        %add3A_279 = arith.addi %add3A_167, %add3A_278 : i32
        %add3A_280 = arith.addi %iota3A, %gather3A : vector<16xi32>
        %mul3A_281 = arith.constant 16 : i32
        %mul3A_282 = arith.muli %add3A_279, %mul3A_281 : i32
        %add3A_283 = arith.addi %select_n3A_32, %mul3A_282 : i32
        %add3A_284 = vector.broadcast %add3A_283 : i32 to vector<16xi32>
        %add3A_285 = arith.addi %add3A_280, %add3A_284 : vector<16xi32>
        %and3A_286 = arith.constant 8191 : i32
        %and3A_287 = vector.broadcast %and3A_286 : i32 to vector<16xi32>
        %and3A_288 = arith.andi %add3A_285, %and3A_287 : vector<16xi32>
        %gather3A_289 = tpu.vector_load_idx %arg6[%and3A_288] : memref<8192xi32, #tpu.memory_space<vmem>>[vector<16xi32>], vector<16xi32>,
        %add3A_290 = vector.broadcast %mul3A_34 : i32 to vector<16xi32>
        %add3A_291 = arith.addi %gather3A_289, %add3A_290 : vector<16xi32>
        %dma_start3A_292 = arith.constant 0 : i32
        %dma_start3A_293 = arith.constant 0 : i32
        %dma_start3A_294 = tpu.memref_slice %arg2[%dma_start3A_292, %dma_start3A_293] : memref<32768x1024xf32, #tpu.memory_space<hbm>> -> memref<32768x1024xf32, #tpu.memory_space<hbm>>
        tpu.enqueue_indirect_dma source(%dma_start3A_294 : memref<32768x1024xf32, #tpu.memory_space<hbm>>) target(%arg8 : memref<16x1024xf32, #tpu.memory_space<vmem>>) offsets(%add3A_291 : vector<16xi32>) semaphore(%arg16 : memref<!tpu.dma_semaphore, #tpu.memory_space<semaphore_mem>>)
      } else {
      }
      %mul3A_178 = arith.constant 7 : i32
      %mul3A_179 = arith.muli %scan3A_163, %mul3A_178 : i32
      %add3A_180 = arith.constant 1 : i32
      %add3A_181 = arith.addi %mul3A_179, %add3A_180 : i32
      %lt3A_182 = arith.constant 64 : i32
      %lt3A_183 = arith.cmpi slt, %add3A_181, %lt3A_182 : i32
      %convert_element_type3A_184 = arith.extui %lt3A_183 : i1 to i32
      %cond3A_185 = arith.constant 0 : i32
      %cond3A_186 = arith.cmpi ne, %convert_element_type3A_184, %cond3A_185 : i32
      scf.if %cond3A_186 {
        %dma_wait3A_274 = arith.constant 0 : i32
        %dma_wait3A_275 = arith.constant 0 : i32
        %dma_wait3A_276 = tpu.memref_slice %arg2[%dma_wait3A_274, %dma_wait3A_275] : memref<32768x1024xf32, #tpu.memory_space<hbm>> -> memref<16x1024xf32, #tpu.memory_space<hbm>>
        %dma_wait3A_277 = arith.constant 0 : i32
        %dma_wait3A_278 = arith.constant 0 : i32
        %dma_wait3A_279 = tpu.memref_slice %arg2[%dma_wait3A_277, %dma_wait3A_278] : memref<32768x1024xf32, #tpu.memory_space<hbm>> -> memref<16x1024xf32, #tpu.memory_space<hbm>>
        tpu.wait_dma2 semaphore(%arg17 : memref<!tpu.dma_semaphore, #tpu.memory_space<semaphore_mem>>) src(%dma_wait3A_279 : memref<16x1024xf32, #tpu.memory_space<hbm>>) dst(%arg9 : memref<16x1024xf32, #tpu.memory_space<vmem>>)
        %mul3A_280 = arith.constant 16 : i32
        %mul3A_281 = arith.muli %add3A_181, %mul3A_280 : i32
        %add3A_282 = arith.addi %mul3A_2, %mul3A_281 : i32
        %dma_start3A_283 = arith.constant 0 : i32
        %dma_start3A_284 = tpu.memref_slice %arg5[%add3A_282, %dma_start3A_283] : memref<32768x1024xf32, #tpu.memory_space<hbm>> -> memref<16x1024xf32, #tpu.memory_space<hbm>>
        %dma_start3A_285 = arith.constant 0 : i32
        %dma_start3A_286 = tpu.memref_slice %arg5[%add3A_282, %dma_start3A_285] : memref<32768x1024xf32, #tpu.memory_space<hbm>> -> memref<16x1024xf32, #tpu.memory_space<hbm>>
        tpu.enqueue_dma source(%arg9 : memref<16x1024xf32, #tpu.memory_space<vmem>>) target(%dma_start3A_286 : memref<16x1024xf32, #tpu.memory_space<hbm>>) target_semaphore(%arg24 : memref<!tpu.dma_semaphore, #tpu.memory_space<semaphore_mem>>)
      } else {
      }
      %add3A_187 = arith.constant 7 : i32
      %add3A_188 = arith.addi %add3A_181, %add3A_187 : i32
      %lt3A_189 = arith.constant 64 : i32
      %lt3A_190 = arith.cmpi slt, %add3A_188, %lt3A_189 : i32
      %convert_element_type3A_191 = arith.extui %lt3A_190 : i1 to i32
      %cond3A_192 = arith.constant 0 : i32
      %cond3A_193 = arith.cmpi ne, %convert_element_type3A_191, %cond3A_192 : i32
      scf.if %cond3A_193 {
        %dma_wait3A_274 = arith.constant 0 : i32
        %dma_wait3A_275 = tpu.memref_slice %arg5[%mul3A_2, %dma_wait3A_274] : memref<32768x1024xf32, #tpu.memory_space<hbm>> -> memref<16x1024xf32, #tpu.memory_space<hbm>>
        %dma_wait3A_276 = arith.constant 0 : i32
        %dma_wait3A_277 = tpu.memref_slice %arg5[%mul3A_2, %dma_wait3A_276] : memref<32768x1024xf32, #tpu.memory_space<hbm>> -> memref<16x1024xf32, #tpu.memory_space<hbm>>
        tpu.wait_dma2 semaphore(%arg24 : memref<!tpu.dma_semaphore, #tpu.memory_space<semaphore_mem>>) src(%arg9 : memref<16x1024xf32, #tpu.memory_space<vmem>>) dst(%dma_wait3A_277 : memref<16x1024xf32, #tpu.memory_space<hbm>>)
        %add3A_278 = arith.constant 7 : i32
        %add3A_279 = arith.addi %add3A_181, %add3A_278 : i32
        %add3A_280 = arith.addi %iota3A, %gather3A : vector<16xi32>
        %mul3A_281 = arith.constant 16 : i32
        %mul3A_282 = arith.muli %add3A_279, %mul3A_281 : i32
        %add3A_283 = arith.addi %select_n3A_32, %mul3A_282 : i32
        %add3A_284 = vector.broadcast %add3A_283 : i32 to vector<16xi32>
        %add3A_285 = arith.addi %add3A_280, %add3A_284 : vector<16xi32>
        %and3A_286 = arith.constant 8191 : i32
        %and3A_287 = vector.broadcast %and3A_286 : i32 to vector<16xi32>
        %and3A_288 = arith.andi %add3A_285, %and3A_287 : vector<16xi32>
        %gather3A_289 = tpu.vector_load_idx %arg6[%and3A_288] : memref<8192xi32, #tpu.memory_space<vmem>>[vector<16xi32>], vector<16xi32>,
        %add3A_290 = vector.broadcast %mul3A_34 : i32 to vector<16xi32>
        %add3A_291 = arith.addi %gather3A_289, %add3A_290 : vector<16xi32>
        %dma_start3A_292 = arith.constant 0 : i32
        %dma_start3A_293 = arith.constant 0 : i32
        %dma_start3A_294 = tpu.memref_slice %arg2[%dma_start3A_292, %dma_start3A_293] : memref<32768x1024xf32, #tpu.memory_space<hbm>> -> memref<32768x1024xf32, #tpu.memory_space<hbm>>
        tpu.enqueue_indirect_dma source(%dma_start3A_294 : memref<32768x1024xf32, #tpu.memory_space<hbm>>) target(%arg9 : memref<16x1024xf32, #tpu.memory_space<vmem>>) offsets(%add3A_291 : vector<16xi32>) semaphore(%arg17 : memref<!tpu.dma_semaphore, #tpu.memory_space<semaphore_mem>>)
      } else {
      }
      %mul3A_194 = arith.constant 7 : i32
      %mul3A_195 = arith.muli %scan3A_163, %mul3A_194 : i32
      %add3A_196 = arith.constant 2 : i32
      %add3A_197 = arith.addi %mul3A_195, %add3A_196 : i32
      %lt3A_198 = arith.constant 64 : i32
      %lt3A_199 = arith.cmpi slt, %add3A_197, %lt3A_198 : i32
      %convert_element_type3A_200 = arith.extui %lt3A_199 : i1 to i32
      %cond3A_201 = arith.constant 0 : i32
      %cond3A_202 = arith.cmpi ne, %convert_element_type3A_200, %cond3A_201 : i32
      scf.if %cond3A_202 {
        %dma_wait3A_274 = arith.constant 0 : i32
        %dma_wait3A_275 = arith.constant 0 : i32
        %dma_wait3A_276 = tpu.memref_slice %arg2[%dma_wait3A_274, %dma_wait3A_275] : memref<32768x1024xf32, #tpu.memory_space<hbm>> -> memref<16x1024xf32, #tpu.memory_space<hbm>>
        %dma_wait3A_277 = arith.constant 0 : i32
        %dma_wait3A_278 = arith.constant 0 : i32
        %dma_wait3A_279 = tpu.memref_slice %arg2[%dma_wait3A_277, %dma_wait3A_278] : memref<32768x1024xf32, #tpu.memory_space<hbm>> -> memref<16x1024xf32, #tpu.memory_space<hbm>>
        tpu.wait_dma2 semaphore(%arg18 : memref<!tpu.dma_semaphore, #tpu.memory_space<semaphore_mem>>) src(%dma_wait3A_279 : memref<16x1024xf32, #tpu.memory_space<hbm>>) dst(%arg10 : memref<16x1024xf32, #tpu.memory_space<vmem>>)
        %mul3A_280 = arith.constant 16 : i32
        %mul3A_281 = arith.muli %add3A_197, %mul3A_280 : i32
        %add3A_282 = arith.addi %mul3A_2, %mul3A_281 : i32
        %dma_start3A_283 = arith.constant 0 : i32
        %dma_start3A_284 = tpu.memref_slice %arg5[%add3A_282, %dma_start3A_283] : memref<32768x1024xf32, #tpu.memory_space<hbm>> -> memref<16x1024xf32, #tpu.memory_space<hbm>>
        %dma_start3A_285 = arith.constant 0 : i32
        %dma_start3A_286 = tpu.memref_slice %arg5[%add3A_282, %dma_start3A_285] : memref<32768x1024xf32, #tpu.memory_space<hbm>> -> memref<16x1024xf32, #tpu.memory_space<hbm>>
        tpu.enqueue_dma source(%arg10 : memref<16x1024xf32, #tpu.memory_space<vmem>>) target(%dma_start3A_286 : memref<16x1024xf32, #tpu.memory_space<hbm>>) target_semaphore(%arg25 : memref<!tpu.dma_semaphore, #tpu.memory_space<semaphore_mem>>)
      } else {
      }
      %add3A_203 = arith.constant 7 : i32
      %add3A_204 = arith.addi %add3A_197, %add3A_203 : i32
      %lt3A_205 = arith.constant 64 : i32
      %lt3A_206 = arith.cmpi slt, %add3A_204, %lt3A_205 : i32
      %convert_element_type3A_207 = arith.extui %lt3A_206 : i1 to i32
      %cond3A_208 = arith.constant 0 : i32
      %cond3A_209 = arith.cmpi ne, %convert_element_type3A_207, %cond3A_208 : i32
      scf.if %cond3A_209 {
        %dma_wait3A_274 = arith.constant 0 : i32
        %dma_wait3A_275 = tpu.memref_slice %arg5[%mul3A_2, %dma_wait3A_274] : memref<32768x1024xf32, #tpu.memory_space<hbm>> -> memref<16x1024xf32, #tpu.memory_space<hbm>>
        %dma_wait3A_276 = arith.constant 0 : i32
        %dma_wait3A_277 = tpu.memref_slice %arg5[%mul3A_2, %dma_wait3A_276] : memref<32768x1024xf32, #tpu.memory_space<hbm>> -> memref<16x1024xf32, #tpu.memory_space<hbm>>
        tpu.wait_dma2 semaphore(%arg25 : memref<!tpu.dma_semaphore, #tpu.memory_space<semaphore_mem>>) src(%arg10 : memref<16x1024xf32, #tpu.memory_space<vmem>>) dst(%dma_wait3A_277 : memref<16x1024xf32, #tpu.memory_space<hbm>>)
        %add3A_278 = arith.constant 7 : i32
        %add3A_279 = arith.addi %add3A_197, %add3A_278 : i32
        %add3A_280 = arith.addi %iota3A, %gather3A : vector<16xi32>
        %mul3A_281 = arith.constant 16 : i32
        %mul3A_282 = arith.muli %add3A_279, %mul3A_281 : i32
        %add3A_283 = arith.addi %select_n3A_32, %mul3A_282 : i32
        %add3A_284 = vector.broadcast %add3A_283 : i32 to vector<16xi32>
        %add3A_285 = arith.addi %add3A_280, %add3A_284 : vector<16xi32>
        %and3A_286 = arith.constant 8191 : i32
        %and3A_287 = vector.broadcast %and3A_286 : i32 to vector<16xi32>
        %and3A_288 = arith.andi %add3A_285, %and3A_287 : vector<16xi32>
        %gather3A_289 = tpu.vector_load_idx %arg6[%and3A_288] : memref<8192xi32, #tpu.memory_space<vmem>>[vector<16xi32>], vector<16xi32>,
        %add3A_290 = vector.broadcast %mul3A_34 : i32 to vector<16xi32>
        %add3A_291 = arith.addi %gather3A_289, %add3A_290 : vector<16xi32>
        %dma_start3A_292 = arith.constant 0 : i32
        %dma_start3A_293 = arith.constant 0 : i32
        %dma_start3A_294 = tpu.memref_slice %arg2[%dma_start3A_292, %dma_start3A_293] : memref<32768x1024xf32, #tpu.memory_space<hbm>> -> memref<32768x1024xf32, #tpu.memory_space<hbm>>
        tpu.enqueue_indirect_dma source(%dma_start3A_294 : memref<32768x1024xf32, #tpu.memory_space<hbm>>) target(%arg10 : memref<16x1024xf32, #tpu.memory_space<vmem>>) offsets(%add3A_291 : vector<16xi32>) semaphore(%arg18 : memref<!tpu.dma_semaphore, #tpu.memory_space<semaphore_mem>>)
      } else {
      }
      %mul3A_210 = arith.constant 7 : i32
      %mul3A_211 = arith.muli %scan3A_163, %mul3A_210 : i32
      %add3A_212 = arith.constant 3 : i32
      %add3A_213 = arith.addi %mul3A_211, %add3A_212 : i32
      %lt3A_214 = arith.constant 64 : i32
      %lt3A_215 = arith.cmpi slt, %add3A_213, %lt3A_214 : i32
      %convert_element_type3A_216 = arith.extui %lt3A_215 : i1 to i32
      %cond3A_217 = arith.constant 0 : i32
      %cond3A_218 = arith.cmpi ne, %convert_element_type3A_216, %cond3A_217 : i32
      scf.if %cond3A_218 {
        %dma_wait3A_274 = arith.constant 0 : i32
        %dma_wait3A_275 = arith.constant 0 : i32
        %dma_wait3A_276 = tpu.memref_slice %arg2[%dma_wait3A_274, %dma_wait3A_275] : memref<32768x1024xf32, #tpu.memory_space<hbm>> -> memref<16x1024xf32, #tpu.memory_space<hbm>>
        %dma_wait3A_277 = arith.constant 0 : i32
        %dma_wait3A_278 = arith.constant 0 : i32
        %dma_wait3A_279 = tpu.memref_slice %arg2[%dma_wait3A_277, %dma_wait3A_278] : memref<32768x1024xf32, #tpu.memory_space<hbm>> -> memref<16x1024xf32, #tpu.memory_space<hbm>>
        tpu.wait_dma2 semaphore(%arg19 : memref<!tpu.dma_semaphore, #tpu.memory_space<semaphore_mem>>) src(%dma_wait3A_279 : memref<16x1024xf32, #tpu.memory_space<hbm>>) dst(%arg11 : memref<16x1024xf32, #tpu.memory_space<vmem>>)
        %mul3A_280 = arith.constant 16 : i32
        %mul3A_281 = arith.muli %add3A_213, %mul3A_280 : i32
        %add3A_282 = arith.addi %mul3A_2, %mul3A_281 : i32
        %dma_start3A_283 = arith.constant 0 : i32
        %dma_start3A_284 = tpu.memref_slice %arg5[%add3A_282, %dma_start3A_283] : memref<32768x1024xf32, #tpu.memory_space<hbm>> -> memref<16x1024xf32, #tpu.memory_space<hbm>>
        %dma_start3A_285 = arith.constant 0 : i32
        %dma_start3A_286 = tpu.memref_slice %arg5[%add3A_282, %dma_start3A_285] : memref<32768x1024xf32, #tpu.memory_space<hbm>> -> memref<16x1024xf32, #tpu.memory_space<hbm>>
        tpu.enqueue_dma source(%arg11 : memref<16x1024xf32, #tpu.memory_space<vmem>>) target(%dma_start3A_286 : memref<16x1024xf32, #tpu.memory_space<hbm>>) target_semaphore(%arg26 : memref<!tpu.dma_semaphore, #tpu.memory_space<semaphore_mem>>)
      } else {
      }
      %add3A_219 = arith.constant 7 : i32
      %add3A_220 = arith.addi %add3A_213, %add3A_219 : i32
      %lt3A_221 = arith.constant 64 : i32
      %lt3A_222 = arith.cmpi slt, %add3A_220, %lt3A_221 : i32
      %convert_element_type3A_223 = arith.extui %lt3A_222 : i1 to i32
      %cond3A_224 = arith.constant 0 : i32
      %cond3A_225 = arith.cmpi ne, %convert_element_type3A_223, %cond3A_224 : i32
      scf.if %cond3A_225 {
        %dma_wait3A_274 = arith.constant 0 : i32
        %dma_wait3A_275 = tpu.memref_slice %arg5[%mul3A_2, %dma_wait3A_274] : memref<32768x1024xf32, #tpu.memory_space<hbm>> -> memref<16x1024xf32, #tpu.memory_space<hbm>>
        %dma_wait3A_276 = arith.constant 0 : i32
        %dma_wait3A_277 = tpu.memref_slice %arg5[%mul3A_2, %dma_wait3A_276] : memref<32768x1024xf32, #tpu.memory_space<hbm>> -> memref<16x1024xf32, #tpu.memory_space<hbm>>
        tpu.wait_dma2 semaphore(%arg26 : memref<!tpu.dma_semaphore, #tpu.memory_space<semaphore_mem>>) src(%arg11 : memref<16x1024xf32, #tpu.memory_space<vmem>>) dst(%dma_wait3A_277 : memref<16x1024xf32, #tpu.memory_space<hbm>>)
        %add3A_278 = arith.constant 7 : i32
        %add3A_279 = arith.addi %add3A_213, %add3A_278 : i32
        %add3A_280 = arith.addi %iota3A, %gather3A : vector<16xi32>
        %mul3A_281 = arith.constant 16 : i32
        %mul3A_282 = arith.muli %add3A_279, %mul3A_281 : i32
        %add3A_283 = arith.addi %select_n3A_32, %mul3A_282 : i32
        %add3A_284 = vector.broadcast %add3A_283 : i32 to vector<16xi32>
        %add3A_285 = arith.addi %add3A_280, %add3A_284 : vector<16xi32>
        %and3A_286 = arith.constant 8191 : i32
        %and3A_287 = vector.broadcast %and3A_286 : i32 to vector<16xi32>
        %and3A_288 = arith.andi %add3A_285, %and3A_287 : vector<16xi32>
        %gather3A_289 = tpu.vector_load_idx %arg6[%and3A_288] : memref<8192xi32, #tpu.memory_space<vmem>>[vector<16xi32>], vector<16xi32>,
        %add3A_290 = vector.broadcast %mul3A_34 : i32 to vector<16xi32>
        %add3A_291 = arith.addi %gather3A_289, %add3A_290 : vector<16xi32>
        %dma_start3A_292 = arith.constant 0 : i32
        %dma_start3A_293 = arith.constant 0 : i32
        %dma_start3A_294 = tpu.memref_slice %arg2[%dma_start3A_292, %dma_start3A_293] : memref<32768x1024xf32, #tpu.memory_space<hbm>> -> memref<32768x1024xf32, #tpu.memory_space<hbm>>
        tpu.enqueue_indirect_dma source(%dma_start3A_294 : memref<32768x1024xf32, #tpu.memory_space<hbm>>) target(%arg11 : memref<16x1024xf32, #tpu.memory_space<vmem>>) offsets(%add3A_291 : vector<16xi32>) semaphore(%arg19 : memref<!tpu.dma_semaphore, #tpu.memory_space<semaphore_mem>>)
      } else {
      }
      %mul3A_226 = arith.constant 7 : i32
      %mul3A_227 = arith.muli %scan3A_163, %mul3A_226 : i32
      %add3A_228 = arith.constant 4 : i32
      %add3A_229 = arith.addi %mul3A_227, %add3A_228 : i32
      %lt3A_230 = arith.constant 64 : i32
      %lt3A_231 = arith.cmpi slt, %add3A_229, %lt3A_230 : i32
      %convert_element_type3A_232 = arith.extui %lt3A_231 : i1 to i32
      %cond3A_233 = arith.constant 0 : i32
      %cond3A_234 = arith.cmpi ne, %convert_element_type3A_232, %cond3A_233 : i32
      scf.if %cond3A_234 {
        %dma_wait3A_274 = arith.constant 0 : i32
        %dma_wait3A_275 = arith.constant 0 : i32
        %dma_wait3A_276 = tpu.memref_slice %arg2[%dma_wait3A_274, %dma_wait3A_275] : memref<32768x1024xf32, #tpu.memory_space<hbm>> -> memref<16x1024xf32, #tpu.memory_space<hbm>>
        %dma_wait3A_277 = arith.constant 0 : i32
        %dma_wait3A_278 = arith.constant 0 : i32
        %dma_wait3A_279 = tpu.memref_slice %arg2[%dma_wait3A_277, %dma_wait3A_278] : memref<32768x1024xf32, #tpu.memory_space<hbm>> -> memref<16x1024xf32, #tpu.memory_space<hbm>>
        tpu.wait_dma2 semaphore(%arg20 : memref<!tpu.dma_semaphore, #tpu.memory_space<semaphore_mem>>) src(%dma_wait3A_279 : memref<16x1024xf32, #tpu.memory_space<hbm>>) dst(%arg12 : memref<16x1024xf32, #tpu.memory_space<vmem>>)
        %mul3A_280 = arith.constant 16 : i32
        %mul3A_281 = arith.muli %add3A_229, %mul3A_280 : i32
        %add3A_282 = arith.addi %mul3A_2, %mul3A_281 : i32
        %dma_start3A_283 = arith.constant 0 : i32
        %dma_start3A_284 = tpu.memref_slice %arg5[%add3A_282, %dma_start3A_283] : memref<32768x1024xf32, #tpu.memory_space<hbm>> -> memref<16x1024xf32, #tpu.memory_space<hbm>>
        %dma_start3A_285 = arith.constant 0 : i32
        %dma_start3A_286 = tpu.memref_slice %arg5[%add3A_282, %dma_start3A_285] : memref<32768x1024xf32, #tpu.memory_space<hbm>> -> memref<16x1024xf32, #tpu.memory_space<hbm>>
        tpu.enqueue_dma source(%arg12 : memref<16x1024xf32, #tpu.memory_space<vmem>>) target(%dma_start3A_286 : memref<16x1024xf32, #tpu.memory_space<hbm>>) target_semaphore(%arg27 : memref<!tpu.dma_semaphore, #tpu.memory_space<semaphore_mem>>)
      } else {
      }
      %add3A_235 = arith.constant 7 : i32
      %add3A_236 = arith.addi %add3A_229, %add3A_235 : i32
      %lt3A_237 = arith.constant 64 : i32
      %lt3A_238 = arith.cmpi slt, %add3A_236, %lt3A_237 : i32
      %convert_element_type3A_239 = arith.extui %lt3A_238 : i1 to i32
      %cond3A_240 = arith.constant 0 : i32
      %cond3A_241 = arith.cmpi ne, %convert_element_type3A_239, %cond3A_240 : i32
      scf.if %cond3A_241 {
        %dma_wait3A_274 = arith.constant 0 : i32
        %dma_wait3A_275 = tpu.memref_slice %arg5[%mul3A_2, %dma_wait3A_274] : memref<32768x1024xf32, #tpu.memory_space<hbm>> -> memref<16x1024xf32, #tpu.memory_space<hbm>>
        %dma_wait3A_276 = arith.constant 0 : i32
        %dma_wait3A_277 = tpu.memref_slice %arg5[%mul3A_2, %dma_wait3A_276] : memref<32768x1024xf32, #tpu.memory_space<hbm>> -> memref<16x1024xf32, #tpu.memory_space<hbm>>
        tpu.wait_dma2 semaphore(%arg27 : memref<!tpu.dma_semaphore, #tpu.memory_space<semaphore_mem>>) src(%arg12 : memref<16x1024xf32, #tpu.memory_space<vmem>>) dst(%dma_wait3A_277 : memref<16x1024xf32, #tpu.memory_space<hbm>>)
        %add3A_278 = arith.constant 7 : i32
        %add3A_279 = arith.addi %add3A_229, %add3A_278 : i32
        %add3A_280 = arith.addi %iota3A, %gather3A : vector<16xi32>
        %mul3A_281 = arith.constant 16 : i32
        %mul3A_282 = arith.muli %add3A_279, %mul3A_281 : i32
        %add3A_283 = arith.addi %select_n3A_32, %mul3A_282 : i32
        %add3A_284 = vector.broadcast %add3A_283 : i32 to vector<16xi32>
        %add3A_285 = arith.addi %add3A_280, %add3A_284 : vector<16xi32>
        %and3A_286 = arith.constant 8191 : i32
        %and3A_287 = vector.broadcast %and3A_286 : i32 to vector<16xi32>
        %and3A_288 = arith.andi %add3A_285, %and3A_287 : vector<16xi32>
        %gather3A_289 = tpu.vector_load_idx %arg6[%and3A_288] : memref<8192xi32, #tpu.memory_space<vmem>>[vector<16xi32>], vector<16xi32>,
        %add3A_290 = vector.broadcast %mul3A_34 : i32 to vector<16xi32>
        %add3A_291 = arith.addi %gather3A_289, %add3A_290 : vector<16xi32>
        %dma_start3A_292 = arith.constant 0 : i32
        %dma_start3A_293 = arith.constant 0 : i32
        %dma_start3A_294 = tpu.memref_slice %arg2[%dma_start3A_292, %dma_start3A_293] : memref<32768x1024xf32, #tpu.memory_space<hbm>> -> memref<32768x1024xf32, #tpu.memory_space<hbm>>
        tpu.enqueue_indirect_dma source(%dma_start3A_294 : memref<32768x1024xf32, #tpu.memory_space<hbm>>) target(%arg12 : memref<16x1024xf32, #tpu.memory_space<vmem>>) offsets(%add3A_291 : vector<16xi32>) semaphore(%arg20 : memref<!tpu.dma_semaphore, #tpu.memory_space<semaphore_mem>>)
      } else {
      }
      %mul3A_242 = arith.constant 7 : i32
      %mul3A_243 = arith.muli %scan3A_163, %mul3A_242 : i32
      %add3A_244 = arith.constant 5 : i32
      %add3A_245 = arith.addi %mul3A_243, %add3A_244 : i32
      %lt3A_246 = arith.constant 64 : i32
      %lt3A_247 = arith.cmpi slt, %add3A_245, %lt3A_246 : i32
      %convert_element_type3A_248 = arith.extui %lt3A_247 : i1 to i32
      %cond3A_249 = arith.constant 0 : i32
      %cond3A_250 = arith.cmpi ne, %convert_element_type3A_248, %cond3A_249 : i32
      scf.if %cond3A_250 {
        %dma_wait3A_274 = arith.constant 0 : i32
        %dma_wait3A_275 = arith.constant 0 : i32
        %dma_wait3A_276 = tpu.memref_slice %arg2[%dma_wait3A_274, %dma_wait3A_275] : memref<32768x1024xf32, #tpu.memory_space<hbm>> -> memref<16x1024xf32, #tpu.memory_space<hbm>>
        %dma_wait3A_277 = arith.constant 0 : i32
        %dma_wait3A_278 = arith.constant 0 : i32
        %dma_wait3A_279 = tpu.memref_slice %arg2[%dma_wait3A_277, %dma_wait3A_278] : memref<32768x1024xf32, #tpu.memory_space<hbm>> -> memref<16x1024xf32, #tpu.memory_space<hbm>>
        tpu.wait_dma2 semaphore(%arg21 : memref<!tpu.dma_semaphore, #tpu.memory_space<semaphore_mem>>) src(%dma_wait3A_279 : memref<16x1024xf32, #tpu.memory_space<hbm>>) dst(%arg13 : memref<16x1024xf32, #tpu.memory_space<vmem>>)
        %mul3A_280 = arith.constant 16 : i32
        %mul3A_281 = arith.muli %add3A_245, %mul3A_280 : i32
        %add3A_282 = arith.addi %mul3A_2, %mul3A_281 : i32
        %dma_start3A_283 = arith.constant 0 : i32
        %dma_start3A_284 = tpu.memref_slice %arg5[%add3A_282, %dma_start3A_283] : memref<32768x1024xf32, #tpu.memory_space<hbm>> -> memref<16x1024xf32, #tpu.memory_space<hbm>>
        %dma_start3A_285 = arith.constant 0 : i32
        %dma_start3A_286 = tpu.memref_slice %arg5[%add3A_282, %dma_start3A_285] : memref<32768x1024xf32, #tpu.memory_space<hbm>> -> memref<16x1024xf32, #tpu.memory_space<hbm>>
        tpu.enqueue_dma source(%arg13 : memref<16x1024xf32, #tpu.memory_space<vmem>>) target(%dma_start3A_286 : memref<16x1024xf32, #tpu.memory_space<hbm>>) target_semaphore(%arg28 : memref<!tpu.dma_semaphore, #tpu.memory_space<semaphore_mem>>)
      } else {
      }
      %add3A_251 = arith.constant 7 : i32
      %add3A_252 = arith.addi %add3A_245, %add3A_251 : i32
      %lt3A_253 = arith.constant 64 : i32
      %lt3A_254 = arith.cmpi slt, %add3A_252, %lt3A_253 : i32
      %convert_element_type3A_255 = arith.extui %lt3A_254 : i1 to i32
      %cond3A_256 = arith.constant 0 : i32
      %cond3A_257 = arith.cmpi ne, %convert_element_type3A_255, %cond3A_256 : i32
      scf.if %cond3A_257 {
        %dma_wait3A_274 = arith.constant 0 : i32
        %dma_wait3A_275 = tpu.memref_slice %arg5[%mul3A_2, %dma_wait3A_274] : memref<32768x1024xf32, #tpu.memory_space<hbm>> -> memref<16x1024xf32, #tpu.memory_space<hbm>>
        %dma_wait3A_276 = arith.constant 0 : i32
        %dma_wait3A_277 = tpu.memref_slice %arg5[%mul3A_2, %dma_wait3A_276] : memref<32768x1024xf32, #tpu.memory_space<hbm>> -> memref<16x1024xf32, #tpu.memory_space<hbm>>
        tpu.wait_dma2 semaphore(%arg28 : memref<!tpu.dma_semaphore, #tpu.memory_space<semaphore_mem>>) src(%arg13 : memref<16x1024xf32, #tpu.memory_space<vmem>>) dst(%dma_wait3A_277 : memref<16x1024xf32, #tpu.memory_space<hbm>>)
        %add3A_278 = arith.constant 7 : i32
        %add3A_279 = arith.addi %add3A_245, %add3A_278 : i32
        %add3A_280 = arith.addi %iota3A, %gather3A : vector<16xi32>
        %mul3A_281 = arith.constant 16 : i32
        %mul3A_282 = arith.muli %add3A_279, %mul3A_281 : i32
        %add3A_283 = arith.addi %select_n3A_32, %mul3A_282 : i32
        %add3A_284 = vector.broadcast %add3A_283 : i32 to vector<16xi32>
        %add3A_285 = arith.addi %add3A_280, %add3A_284 : vector<16xi32>
        %and3A_286 = arith.constant 8191 : i32
        %and3A_287 = vector.broadcast %and3A_286 : i32 to vector<16xi32>
        %and3A_288 = arith.andi %add3A_285, %and3A_287 : vector<16xi32>
        %gather3A_289 = tpu.vector_load_idx %arg6[%and3A_288] : memref<8192xi32, #tpu.memory_space<vmem>>[vector<16xi32>], vector<16xi32>,
        %add3A_290 = vector.broadcast %mul3A_34 : i32 to vector<16xi32>
        %add3A_291 = arith.addi %gather3A_289, %add3A_290 : vector<16xi32>
        %dma_start3A_292 = arith.constant 0 : i32
        %dma_start3A_293 = arith.constant 0 : i32
        %dma_start3A_294 = tpu.memref_slice %arg2[%dma_start3A_292, %dma_start3A_293] : memref<32768x1024xf32, #tpu.memory_space<hbm>> -> memref<32768x1024xf32, #tpu.memory_space<hbm>>
        tpu.enqueue_indirect_dma source(%dma_start3A_294 : memref<32768x1024xf32, #tpu.memory_space<hbm>>) target(%arg13 : memref<16x1024xf32, #tpu.memory_space<vmem>>) offsets(%add3A_291 : vector<16xi32>) semaphore(%arg21 : memref<!tpu.dma_semaphore, #tpu.memory_space<semaphore_mem>>)
      } else {
      }
      %mul3A_258 = arith.constant 7 : i32
      %mul3A_259 = arith.muli %scan3A_163, %mul3A_258 : i32
      %add3A_260 = arith.constant 6 : i32
      %add3A_261 = arith.addi %mul3A_259, %add3A_260 : i32
      %lt3A_262 = arith.constant 64 : i32
      %lt3A_263 = arith.cmpi slt, %add3A_261, %lt3A_262 : i32
      %convert_element_type3A_264 = arith.extui %lt3A_263 : i1 to i32
      %cond3A_265 = arith.constant 0 : i32
      %cond3A_266 = arith.cmpi ne, %convert_element_type3A_264, %cond3A_265 : i32
      scf.if %cond3A_266 {
        %dma_wait3A_274 = arith.constant 0 : i32
        %dma_wait3A_275 = arith.constant 0 : i32
        %dma_wait3A_276 = tpu.memref_slice %arg2[%dma_wait3A_274, %dma_wait3A_275] : memref<32768x1024xf32, #tpu.memory_space<hbm>> -> memref<16x1024xf32, #tpu.memory_space<hbm>>
        %dma_wait3A_277 = arith.constant 0 : i32
        %dma_wait3A_278 = arith.constant 0 : i32
        %dma_wait3A_279 = tpu.memref_slice %arg2[%dma_wait3A_277, %dma_wait3A_278] : memref<32768x1024xf32, #tpu.memory_space<hbm>> -> memref<16x1024xf32, #tpu.memory_space<hbm>>
        tpu.wait_dma2 semaphore(%arg22 : memref<!tpu.dma_semaphore, #tpu.memory_space<semaphore_mem>>) src(%dma_wait3A_279 : memref<16x1024xf32, #tpu.memory_space<hbm>>) dst(%arg14 : memref<16x1024xf32, #tpu.memory_space<vmem>>)
        %mul3A_280 = arith.constant 16 : i32
        %mul3A_281 = arith.muli %add3A_261, %mul3A_280 : i32
        %add3A_282 = arith.addi %mul3A_2, %mul3A_281 : i32
        %dma_start3A_283 = arith.constant 0 : i32
        %dma_start3A_284 = tpu.memref_slice %arg5[%add3A_282, %dma_start3A_283] : memref<32768x1024xf32, #tpu.memory_space<hbm>> -> memref<16x1024xf32, #tpu.memory_space<hbm>>
        %dma_start3A_285 = arith.constant 0 : i32
        %dma_start3A_286 = tpu.memref_slice %arg5[%add3A_282, %dma_start3A_285] : memref<32768x1024xf32, #tpu.memory_space<hbm>> -> memref<16x1024xf32, #tpu.memory_space<hbm>>
        tpu.enqueue_dma source(%arg14 : memref<16x1024xf32, #tpu.memory_space<vmem>>) target(%dma_start3A_286 : memref<16x1024xf32, #tpu.memory_space<hbm>>) target_semaphore(%arg29 : memref<!tpu.dma_semaphore, #tpu.memory_space<semaphore_mem>>)
      } else {
      }
      %add3A_267 = arith.constant 7 : i32
      %add3A_268 = arith.addi %add3A_261, %add3A_267 : i32
      %lt3A_269 = arith.constant 64 : i32
      %lt3A_270 = arith.cmpi slt, %add3A_268, %lt3A_269 : i32
      %convert_element_type3A_271 = arith.extui %lt3A_270 : i1 to i32
      %cond3A_272 = arith.constant 0 : i32
      %cond3A_273 = arith.cmpi ne, %convert_element_type3A_271, %cond3A_272 : i32
      scf.if %cond3A_273 {
        %dma_wait3A_274 = arith.constant 0 : i32
        %dma_wait3A_275 = tpu.memref_slice %arg5[%mul3A_2, %dma_wait3A_274] : memref<32768x1024xf32, #tpu.memory_space<hbm>> -> memref<16x1024xf32, #tpu.memory_space<hbm>>
        %dma_wait3A_276 = arith.constant 0 : i32
        %dma_wait3A_277 = tpu.memref_slice %arg5[%mul3A_2, %dma_wait3A_276] : memref<32768x1024xf32, #tpu.memory_space<hbm>> -> memref<16x1024xf32, #tpu.memory_space<hbm>>
        tpu.wait_dma2 semaphore(%arg29 : memref<!tpu.dma_semaphore, #tpu.memory_space<semaphore_mem>>) src(%arg14 : memref<16x1024xf32, #tpu.memory_space<vmem>>) dst(%dma_wait3A_277 : memref<16x1024xf32, #tpu.memory_space<hbm>>)
        %add3A_278 = arith.constant 7 : i32
        %add3A_279 = arith.addi %add3A_261, %add3A_278 : i32
        %add3A_280 = arith.addi %iota3A, %gather3A : vector<16xi32>
        %mul3A_281 = arith.constant 16 : i32
        %mul3A_282 = arith.muli %add3A_279, %mul3A_281 : i32
        %add3A_283 = arith.addi %select_n3A_32, %mul3A_282 : i32
        %add3A_284 = vector.broadcast %add3A_283 : i32 to vector<16xi32>
        %add3A_285 = arith.addi %add3A_280, %add3A_284 : vector<16xi32>
        %and3A_286 = arith.constant 8191 : i32
        %and3A_287 = vector.broadcast %and3A_286 : i32 to vector<16xi32>
        %and3A_288 = arith.andi %add3A_285, %and3A_287 : vector<16xi32>
        %gather3A_289 = tpu.vector_load_idx %arg6[%and3A_288] : memref<8192xi32, #tpu.memory_space<vmem>>[vector<16xi32>], vector<16xi32>,
        %add3A_290 = vector.broadcast %mul3A_34 : i32 to vector<16xi32>
        %add3A_291 = arith.addi %gather3A_289, %add3A_290 : vector<16xi32>
        %dma_start3A_292 = arith.constant 0 : i32
        %dma_start3A_293 = arith.constant 0 : i32
        %dma_start3A_294 = tpu.memref_slice %arg2[%dma_start3A_292, %dma_start3A_293] : memref<32768x1024xf32, #tpu.memory_space<hbm>> -> memref<32768x1024xf32, #tpu.memory_space<hbm>>
        tpu.enqueue_indirect_dma source(%dma_start3A_294 : memref<32768x1024xf32, #tpu.memory_space<hbm>>) target(%arg14 : memref<16x1024xf32, #tpu.memory_space<vmem>>) offsets(%add3A_291 : vector<16xi32>) semaphore(%arg22 : memref<!tpu.dma_semaphore, #tpu.memory_space<semaphore_mem>>)
      } else {
      }
    }
    %scan3A_135 = arith.constant 10 : i32
    %dma_wait3A = arith.constant 0 : i32
    %dma_wait3A_136 = tpu.memref_slice %arg5[%mul3A_2, %dma_wait3A] : memref<32768x1024xf32, #tpu.memory_space<hbm>> -> memref<16x1024xf32, #tpu.memory_space<hbm>>
    %dma_wait3A_137 = arith.constant 0 : i32
    %dma_wait3A_138 = tpu.memref_slice %arg5[%mul3A_2, %dma_wait3A_137] : memref<32768x1024xf32, #tpu.memory_space<hbm>> -> memref<16x1024xf32, #tpu.memory_space<hbm>>
    tpu.wait_dma2 semaphore(%arg23 : memref<!tpu.dma_semaphore, #tpu.memory_space<semaphore_mem>>) src(%arg8 : memref<16x1024xf32, #tpu.memory_space<vmem>>) dst(%dma_wait3A_138 : memref<16x1024xf32, #tpu.memory_space<hbm>>)
    %dma_wait3A_139 = arith.constant 0 : i32
    %dma_wait3A_140 = tpu.memref_slice %arg5[%mul3A_2, %dma_wait3A_139] : memref<32768x1024xf32, #tpu.memory_space<hbm>> -> memref<16x1024xf32, #tpu.memory_space<hbm>>
    %dma_wait3A_141 = arith.constant 0 : i32
    %dma_wait3A_142 = tpu.memref_slice %arg5[%mul3A_2, %dma_wait3A_141] : memref<32768x1024xf32, #tpu.memory_space<hbm>> -> memref<16x1024xf32, #tpu.memory_space<hbm>>
    tpu.wait_dma2 semaphore(%arg24 : memref<!tpu.dma_semaphore, #tpu.memory_space<semaphore_mem>>) src(%arg9 : memref<16x1024xf32, #tpu.memory_space<vmem>>) dst(%dma_wait3A_142 : memref<16x1024xf32, #tpu.memory_space<hbm>>)
    %dma_wait3A_143 = arith.constant 0 : i32
    %dma_wait3A_144 = tpu.memref_slice %arg5[%mul3A_2, %dma_wait3A_143] : memref<32768x1024xf32, #tpu.memory_space<hbm>> -> memref<16x1024xf32, #tpu.memory_space<hbm>>
    %dma_wait3A_145 = arith.constant 0 : i32
    %dma_wait3A_146 = tpu.memref_slice %arg5[%mul3A_2, %dma_wait3A_145] : memref<32768x1024xf32, #tpu.memory_space<hbm>> -> memref<16x1024xf32, #tpu.memory_space<hbm>>
    tpu.wait_dma2 semaphore(%arg25 : memref<!tpu.dma_semaphore, #tpu.memory_space<semaphore_mem>>) src(%arg10 : memref<16x1024xf32, #tpu.memory_space<vmem>>) dst(%dma_wait3A_146 : memref<16x1024xf32, #tpu.memory_space<hbm>>)
    %dma_wait3A_147 = arith.constant 0 : i32
    %dma_wait3A_148 = tpu.memref_slice %arg5[%mul3A_2, %dma_wait3A_147] : memref<32768x1024xf32, #tpu.memory_space<hbm>> -> memref<16x1024xf32, #tpu.memory_space<hbm>>
    %dma_wait3A_149 = arith.constant 0 : i32
    %dma_wait3A_150 = tpu.memref_slice %arg5[%mul3A_2, %dma_wait3A_149] : memref<32768x1024xf32, #tpu.memory_space<hbm>> -> memref<16x1024xf32, #tpu.memory_space<hbm>>
    tpu.wait_dma2 semaphore(%arg26 : memref<!tpu.dma_semaphore, #tpu.memory_space<semaphore_mem>>) src(%arg11 : memref<16x1024xf32, #tpu.memory_space<vmem>>) dst(%dma_wait3A_150 : memref<16x1024xf32, #tpu.memory_space<hbm>>)
    %dma_wait3A_151 = arith.constant 0 : i32
    %dma_wait3A_152 = tpu.memref_slice %arg5[%mul3A_2, %dma_wait3A_151] : memref<32768x1024xf32, #tpu.memory_space<hbm>> -> memref<16x1024xf32, #tpu.memory_space<hbm>>
    %dma_wait3A_153 = arith.constant 0 : i32
    %dma_wait3A_154 = tpu.memref_slice %arg5[%mul3A_2, %dma_wait3A_153] : memref<32768x1024xf32, #tpu.memory_space<hbm>> -> memref<16x1024xf32, #tpu.memory_space<hbm>>
    tpu.wait_dma2 semaphore(%arg27 : memref<!tpu.dma_semaphore, #tpu.memory_space<semaphore_mem>>) src(%arg12 : memref<16x1024xf32, #tpu.memory_space<vmem>>) dst(%dma_wait3A_154 : memref<16x1024xf32, #tpu.memory_space<hbm>>)
    %dma_wait3A_155 = arith.constant 0 : i32
    %dma_wait3A_156 = tpu.memref_slice %arg5[%mul3A_2, %dma_wait3A_155] : memref<32768x1024xf32, #tpu.memory_space<hbm>> -> memref<16x1024xf32, #tpu.memory_space<hbm>>
    %dma_wait3A_157 = arith.constant 0 : i32
    %dma_wait3A_158 = tpu.memref_slice %arg5[%mul3A_2, %dma_wait3A_157] : memref<32768x1024xf32, #tpu.memory_space<hbm>> -> memref<16x1024xf32, #tpu.memory_space<hbm>>
    tpu.wait_dma2 semaphore(%arg28 : memref<!tpu.dma_semaphore, #tpu.memory_space<semaphore_mem>>) src(%arg13 : memref<16x1024xf32, #tpu.memory_space<vmem>>) dst(%dma_wait3A_158 : memref<16x1024xf32, #tpu.memory_space<hbm>>)
    %dma_wait3A_159 = arith.constant 0 : i32
    %dma_wait3A_160 = tpu.memref_slice %arg5[%mul3A_2, %dma_wait3A_159] : memref<32768x1024xf32, #tpu.memory_space<hbm>> -> memref<16x1024xf32, #tpu.memory_space<hbm>>
    %dma_wait3A_161 = arith.constant 0 : i32
    %dma_wait3A_162 = tpu.memref_slice %arg5[%mul3A_2, %dma_wait3A_161] : memref<32768x1024xf32, #tpu.memory_space<hbm>> -> memref<16x1024xf32, #tpu.memory_space<hbm>>
    tpu.wait_dma2 semaphore(%arg29 : memref<!tpu.dma_semaphore, #tpu.memory_space<semaphore_mem>>) src(%arg14 : memref<16x1024xf32, #tpu.memory_space<vmem>>) dst(%dma_wait3A_162 : memref<16x1024xf32, #tpu.memory_space<hbm>>)
    return
  }
}

</mosaic_0001>

<sc_bundles>
// kernel: kernel.3.cloned.1.call-start
scs
__scs_entry_jumppad:
0x0: {  	(pc) =	sbr.rel $0x88, $3  }
0x1: {  	(tag) =	ssettag $0x0;
	lr =	simm.s32 $0x1  }
0x2: {  	[smem:$0x3F9E] =	sst lr;
	_ =	strace $0xD0000000  }
0x3: {  	_ = 	snop  }
0x4: {  	_ = 	snop  }
0x5: {  	_ = 	snop  }
0x6: {  	_ = 	snop  }
0x7: {  	_ = 	snop  }
__scs_overlays_trampoline_lowered:
0x8: {  	[smem:$0x3FAD] =	sst s0  }
0x9: {  	[smem:$0x3FAE] =	sst s1  }
0xa: {  	[smem:$0x3FAF] =	sst s2  }
0xb: {  	[smem:$0x3FB0] =	sst s3  }
0xc: {  	[smem:$0x3FB1] =	sst s4  }
0xd: {  	[smem:$0x3FB2] =	sst s5  }
0xe: {  	[smem:$0x3FB3] =	sst s6  }
0xf: {  	[smem:$0x3FB4] =	sst s7  }
0x10: {  	[smem:$0x3FB5] =	sst s8  }
0x11: {  	[smem:$0x3FB6] =	sst s9;
	s0 =	simm.s32 @!p0 $0x0  }
0x12: {  	s1 =	sld [smem:$0x3F9C];
	s0 =	simm.s32 @p0 $0x1  }
0x13: {  	[smem:$0x3FB7] =	sst s0;
	s0 =	simm.s32 @!p1 $0x0  }
0x14: {  	s2 =	sld [smem:$0x3F9B];
	s0 =	simm.s32 @p1 $0x1  }
0x15: {  	[smem:$0x3FB8] =	sst s0;
	s0 =	simm.s32 @!p2 $0x0  }
0x16: {  	s3 =	sld [smem:$0x3FDB];
	s0 =	simm.s32 @p2 $0x1  }
0x17: {  	s4 =	simm.s32 $0x1BF5;
	[smem:$0x3FBA] =	sst s0  }
0x18: {  	s0 =	sld [smem:$0x3F9D];
	_ =	swait.ge [sflag:s4], $0x0  }
0x19: {  	s7 =	sld [smem:$0x3F9E]  }
0x1a: {  	s8 =	sadd.s32 $0xFFFFE003, lr  }
0x1b: {  	s9 =	sadd.s32 $0xFFFFFEF7, lr;
	s5 =	simm.s32 $0xFFFFFFFF;
	p2 =	slt.u32 s8, $0xFFFFF086  }
0x1c: {  	p1 =	slt.u32 s9, $0xF7A;
	s5 =	simm.s32 @!p2 $0x0  }
0x1d: {  	s5 =	simm.s32 @p1 $0x1;
	p0 =	seq.s32 s7, s2  }
0x1e: {  	s7 =	smul.u32 @!p0 $0xF7A, s2;
	p2 =	seq.s32 @!p0 s5, $0x0  }
0x1f: {  	s9 =	smul.u32 $0xF7A, s1;
	s8 =	simm.s32 @!p0 $0x1BF5;
	p2 =	por !p2, p0  }
0x20: {  	[sflag:s8] =	ssyncset.s32 @!p0 $0xFFFFF086;
	s6 =	sadd.s32 @!p0 s3, s7;
	s7 =	simm.s32 @!p0 $0x108  }
0x21: {  	s3 =	sadd.s32 s3, s9;
	s6 =	sadd.s32 @!p0 $0x88, s6;
	s7 =	simm.s32 @p2 $0x1082  }
0x22: {  	[simem:s7], [sflag:s8] =	dma.local @!p0 [hbm:s6], $0xF7A  }
0x23: {  	s9 =	sor.u32 $0xD0000000, s2;
	s6 =	simm.s32 $0x108;
	_ =	swait.ge @!p0 [sflag:s8], $0x0  }
0x24: {  	s3 =	sadd.s32 $0x88, s3;
	s6 =	simm.s32 @!p1 $0x1082;
	[sflag:s4] =	ssyncset.s32 $0xFFFFF086  }
0x25: {  	[simem:s6], [sflag:s4] =	dma.local [hbm:s3], $0xF7A  }
0x26: {  	[smem:$0x3F9E] =	sst s1;
	(tag) =	ssettag s2;
	_ =	strace s9  }
0x27: {  	s1 =	sld [smem:$0x3FAE]  }
0x28: {  	s2 =	sld [smem:$0x3FAF]  }
0x29: {  	s4 =	sld [smem:$0x3FB1]  }
0x2a: {  	p0 =	seq.s32 s5, $0x0;
	s5 =	sld [smem:$0x3FB2]  }
0x2b: {  	s6 =	sld [smem:$0x3FB3]  }
0x2c: {  	s7 =	sld [smem:$0x3FB4]  }
0x2d: {  	s3 =	simm.s32 $0x108;
	s8 =	sld [smem:$0x3FB5]  }
0x2e: {  	s3 =	simm.s32 @!p0 $0x1082;
	s9 =	sld [smem:$0x3FB6]  }
0x2f: {  	lr =	sadd.s32 s0, s3;
	s0 =	sld [smem:$0x3FAD]  }
0x30: {  	s3 =	sld [smem:$0x3FB0]  }
0x31: {  	[smem:$0x3FB9] =	sst s10  }
0x32: {  	s10 =	sld [smem:$0x3FB7];
	_ =	sdelay $0x3  }
0x33: {  	p0 =	seq.s32 s10, $0x1;
	s10 =	sld [smem:$0x3FB9];
	_ =	sdelay $0x3  }
0x34: {  	[smem:$0x3FB9] =	sst s10  }
0x35: {  	s10 =	sld [smem:$0x3FB8];
	_ =	sdelay $0x3  }
0x36: {  	p1 =	seq.s32 s10, $0x1;
	s10 =	sld [smem:$0x3FB9];
	_ =	sdelay $0x3  }
0x37: {  	[smem:$0x3FB9] =	sst s10  }
0x38: {  	s10 =	sld [smem:$0x3FBA]  }
0x39: {  	_ = 	snop;
	(pc) =	sbr.ind lr, $3  }
0x3a: {  	_ = 	snop  }
0x3b: {  	_ = 	snop  }
0x3c: {  	p2 =	seq.s32 s10, $0x1;
	s10 =	sld [smem:$0x3FB9]  }
0x3d: {  	_ =	shalt  }
0x3e: {  	_ =	shalt  }
0x3f: {  	_ =	shalt  }
0x40: {  	_ =	shalt  }
0x41: {  	_ =	shalt  }
0x42: {  	_ =	shalt  }
0x43: {  	_ =	shalt  }
0x44: {  	_ =	shalt  }
0x45: {  	_ =	shalt  }
0x46: {  	_ =	shalt  }
0x47: {  	_ =	shalt  }
0x48: {  	_ =	shalt  }
0x49: {  	_ =	shalt  }
0x4a: {  	_ =	shalt  }
0x4b: {  	_ =	shalt  }
0x4c: {  	_ =	shalt  }
0x4d: {  	_ =	shalt  }
0x4e: {  	_ =	shalt  }
0x4f: {  	_ =	shalt  }
0x50: {  	_ =	shalt  }
0x51: {  	_ =	shalt  }
0x52: {  	_ =	shalt  }
0x53: {  	_ =	shalt  }
0x54: {  	_ =	shalt  }
0x55: {  	_ =	shalt  }
0x56: {  	_ =	shalt  }
0x57: {  	_ =	shalt  }
0x58: {  	_ =	shalt  }
0x59: {  	_ =	shalt  }
0x5a: {  	_ =	shalt  }
0x5b: {  	_ =	shalt  }
0x5c: {  	_ =	shalt  }
0x5d: {  	_ =	shalt  }
0x5e: {  	_ =	shalt  }
0x5f: {  	_ =	shalt  }
0x60: {  	_ =	shalt  }
0x61: {  	_ =	shalt  }
0x62: {  	_ =	shalt  }
0x63: {  	_ =	shalt  }
0x64: {  	_ =	shalt  }
0x65: {  	_ =	shalt  }
0x66: {  	_ =	shalt  }
0x67: {  	_ =	shalt  }
0x68: {  	_ =	shalt  }
0x69: {  	_ =	shalt  }
0x6a: {  	_ =	shalt  }
0x6b: {  	_ =	shalt  }
0x6c: {  	_ =	shalt  }
0x6d: {  	_ =	shalt  }
0x6e: {  	_ =	shalt  }
0x6f: {  	_ =	shalt  }
0x70: {  	_ =	shalt  }
0x71: {  	_ =	shalt  }
0x72: {  	_ =	shalt  }
0x73: {  	_ =	shalt  }
0x74: {  	_ =	shalt  }
0x75: {  	_ =	shalt  }
0x76: {  	_ =	shalt  }
0x77: {  	_ =	shalt  }
0x78: {  	_ =	shalt  }
0x79: {  	_ =	shalt  }
0x7a: {  	_ =	shalt  }
0x7b: {  	_ =	shalt  }
0x7c: {  	_ =	shalt  }
0x7d: {  	_ =	shalt  }
0x7e: {  	_ =	shalt  }
0x7f: {  	_ =	shalt  }
0x80: {  	_ =	shalt  }
0x81: {  	_ =	shalt  }
0x82: {  	_ =	shalt  }
0x83: {  	_ =	shalt  }
0x84: {  	_ =	shalt  }
0x85: {  	_ =	shalt  }
0x86: {  	_ =	shalt  }
0x87: {  	_ =	shalt  }
.Lfunc_end0:
.L_simem_size_0:
called_computation_lowered:
.L_overlay_start_0:
0x88: {  	s2 =	sld [smem:$0x3FD9]  }
0x89: {  	s3 =	sld [smem:$0x3FFE];
	_ =	sdelay $0x1  }
0x8a: {  	s1 =	srdreg.scid  }
0x8b: {  	s0 =	sand.u32 $0x1, s1  }
0x8c: {  	s18 =	sshll.u32 s0, $0xA;
	s2 =	sadd.s32 s3, s2  }
0x8d: {  	s2 =	sadd.s32 s2, s18  }
0x8e: {  	[smem:$0x3FC5] =	sst s2  }
0x8f: {  	_ = 	snop  }
0x90: {  	s2 =	sld [smem:$0x3FC9]  }
0x91: {  	s19 =	sld [smem:$0x3FC8]  }
0x92: {  	s4 =	sld [smem:$0x3FC7]  }
0x93: {  	s5 =	sld [smem:$0x3FD0];
	(tm) =	ssettm $0x1  }
0x94: {  	s6 =	sld [smem:$0x3FFB];
	_ =	sdelay $0x3  }
0x95: {  	_ =	strace s6  }
0x96: {  	s6 =	sld [smem:$0x3FFC];
	_ =	sdelay $0x3  }
0x97: {  	_ =	strace s6  }
0x98: {  	s6 =	sld [smem:$0x3FFD];
	_ =	sdelay $0x3  }
0x99: {  	_ =	strace s6  }
0x9a: {  	_ =	strace $0x8FFFFFFF  }
0x9b: {  	s20 =	sld [smem:$0x3FDB];
	_ =	sdelay $0x1  }
0x9c: {  	s7 =	simm.s32 $_scs_section_size  }
0x9d: {  	s8 =	simm.s32 $_size__tile_overlayer_lowered;
	s9 =	simm.s32 $_tile_overlayer_lowered  }
0x9e: {  	s23 =	simm.s32 $0x1BFF;
	s22 =	sshll.u32 s9, $0x1;
	s6 =	sadd.s32 s7, s20  }
0x9f: {  	s10 =	simm.s32 $0x0;
	s21 =	sshll.u32 s8, $0x1;
	s8 =	sadd.s32 s22, s6  }
0xa0: {  	[timem:s10], [sflag:s23] =	dma.local [hbm:s8], s21  }
0xa1: {  	_ =	swait.ge [sflag:s23], s21  }
0xa2: {  	s7 =	ssub.s32 $0x0, s21;
	[sflag:s23] =	ssyncset.done $0x0  }
0xa3: {  	[sflag:s23] =	ssyncadd.s32 s7;
	_ =	sdelay $0x1  }
0xa4: {  	s24 =	simm.s32 $0x1B8B  }
0xa5: {  	_ =	swait.ge [sflag:s24], $0x1  }
0xa6: {  	[sflag:s24] =	ssyncset.done $0x0  }
0xa7: {  	s25 =	simm.s32 $0x1B8E;
	[sflag:s24] =	ssyncadd.s32 $0xFFFFFFFF  }
0xa8: {  	s26 =	simm.s32 $execute0_lowered;
	[smem:$0x3FD2] =	sst s25  }
0xa9: {  	s7 =	sshll.u32 s26, $0x1;
	_ =	strace $0x80000046;
	[dreg:$0x1] =	wrdreg $0xFFFFFFFF  }
0xaa: {  	s28 =	simm.s32 $_size_execute0_lowered;
	s6 =	sadd.s32 s6, s7;
	[dreg:$0x0] =	wrdreg $0x0  }
0xab: {  	s7 =	sshll.u32 s28, $0x1;
	[dreg:$0x2] =	wrdreg s6  }
0xac: {  	[dreg:$0x3] =	wrdreg s7  }
0xad: {  	[dreg:$0x4] =	wrdreg $0xC0  }
0xae: {  	_ =	task [dreg:s10], $0x5FFFF  }
0xaf: {  	[dreg:$0x1] =	wrdreg $0xFFFFFFFF  }
0xb0: {  	[dreg:$0x0] =	wrdreg $0x60  }
0xb1: {  	[dreg:$0x2] =	wrdreg s2  }
0xb2: {  	[dreg:$0x3] =	wrdreg s19  }
0xb3: {  	[dreg:$0x4] =	wrdreg s4  }
0xb4: {  	[dreg:$0x5] =	wrdreg s5  }
0xb5: {  	[dreg:$0x6] =	wrdreg $0x9  }
0xb6: {  	_ =	task.clear_ibuf [dreg:s10], $0x7FFFF;
	_ =	strace $0x90000046  }
0xb7: {  	s29 =	simm.s32 $0x9;
	_ =	strace $0x80000048  }
0xb8: {  	_ =	swait.ge [sflag:s29], $0x1  }
0xb9: {  	[sflag:s29] =	ssyncadd.s32 $0xFFFFFFFF  }
0xba: {  	_ =	strace $0x90000048  }
0xbb: {  	_ =	sfence  }
0xbc: {  	s30 =	sld [smem:$0x0];
	_ =	sdelay $0x2  }
0xbd: {  	s31 =	sshll.u32 s1, $0xD;
	s1 =	sshrl.u32 s1, $0x2  }
0xbe: {  	s3 =	sand.u32 $0x4000, s31;
	s1 =	sadd.s32 s1, s30  }
0xbf: {  	s0 =	sor.u32 s3, s0;
	s1 =	sshll.u32 s1, $0x11  }
0xc0: {  	s0 =	sor.u32 s1, s0  }
0xc1: {  	s0 =	sadd.s32 $0x8F2B, s0  }
0xc2: {  	[sflag:s0] =	ssyncadd.remote.s32 $0x1  }
0xc3: {  	_ =	sfence.sel $0xFFFF  }
0xc4: {  	[dreg:$0x0] =	wrdreg $0xFFFFFFFF;
	(pc) =	sbr.abs _section_cstart, $3  }
0xc5: {  	[dreg:$0x1] =	wrdreg $0xFFFFFFFF  }
0xc6: {  	_ =	task.clear_ibuf [dreg:s10], $0x2FFFF;
	_ =	strace $0x9FFFFFFF  }
0xc7: {  	(tm) =	ssettm $0x7FFFFFFF  }
tec
execute0_lowered:
.L_overlay_start_1:
0x0: {  	(tag) =	ssettag $0x1  }
0x1: {  	s1 =	rddreg [dreg:$0x0]  }
0x2: {  	s5 =	rddreg [dreg:$0x3]  }
0x3: {  	s4 =	simm.s32 $0x0;
	s0 =	srdreg.scid;
	s20 =	stileid.u32  }
0x4: {  	s30 =	simm.s32 $0x12080;
	s31 =	simm.s32 $0x1A080;
	s28 =	simm.s32 $0x6  }
0x5: {  	s29 =	simm.s32 $0x7;
	[smem:$0x7FF] =	sst s4;
	s15 =	sand.u32 $0x1, s0  }
0x6: {  	s3 =	sshll.u32 s20, $0xB;
	s7 =	sadd.s32 $0x200, s1;
	s9 =	sshll.u32 s20, $0x15  }
0x7: {  	s8 =	sadd.s32 $0x300, s1;
	s23 =	sshll.u32 s20, $0x12;
	_ =	strace $0x80000047  }
0x8: {  	s0 =	ssub.s32 $0x2, s15;
	s6 =	sshll.u32 s15, $0xA;
	s10 =	sshll.u32 s15, $0x14  }
0x9: {  	s15 =	sshll.u32 s15, $0x11;
	s2 =	sshrl.u32 s0, $0x1;
	s13 =	sor.u32 s6, s3  }
0xa: {  	s3 =	sand.u32 $0x6000, s3;
	s6 =	sadd.s32 $0x100, s1;
	s17 =	ssub.s32 s0, s2  }
0xb: {  	s0 =	sshrl.u32 s20, $0x2;
	s2 =	sand.u32 $0x1C00, s13;
	s13 =	sor.u32 s10, s9  }
0xc: {  	s20 =	simm.s32 $0x2080;
	v2 =	vmov s3;
	s3 =	simm.s32 $0x0;
	s18 =	sor.u32 $0x10, s2  }
0xd: {  	s21 =	sor.u32 $0x20, s2;
	s22 =	sor.u32 $0x30, s2;
	s9 =	sor.u32 $0x18000, s13  }
0xe: {  	s16 =	sor.u32 $0x40, s2;
	s10 =	sor.u32 $0x10000, s13;
	s11 =	sor.u32 $0x8000, s13  }
0xf: {  	s12 =	sor.u32 $0x14000, s13;
	s19 =	sor.u32 $0x4000, s13;
	s25 =	sor.u32 $0x60, s2  }
0x10: {  	s24 =	smax.u32 s17, $0x1;
	s26 =	sor.u32 $0xD0, s2;
	s17 =	simm.s32 $0xE080  }
0x11: {  	v0 =	vmov s0;
	s0 =	simm.s32 $0x2;
	s9 =	sshrl.u32 s9, $0x3;
	s10 =	sshrl.u32 s10, $0x3  }
0x12: {  	s11 =	sshrl.u32 s11, $0x3;
	s12 =	sshrl.u32 s12, $0x3;
	[dreg:$0x5] =	wrdreg s24  }
0x13: {  	s19 =	sshrl.u32 s19, $0x3;
	[dreg:$0x6] =	wrdreg s26;
	v4 =	vmov s21;
	s21 =	simm.s32 $0xD  }
0x14: {  	v5 =	vmov s22;
	s22 =	simm.s32 $0xE;
	s24 =	simm.s32 $0x3;
	v9 =	vmov s25;
	s25 =	simm.s32 $0x4  }
0x15: {  	v6 =	vmov s16;
	s26 =	simm.s32 $0x5;
	s16 =	simm.s32 $0x8;
	s9 =	sadd.s32 s9, s5  }
0x16: {  	s14 =	sadd.s32 s10, s5;
	s11 =	sadd.s32 s11, s5;
	s12 =	sadd.s32 s12, s5  }
.Ltmp0:
0x17: {  	[dreg:$0x8] =	wrdreg s14;
	s14 =	sor.u32 $0xC000, s13;
	(pc) =	sbr.rel .LBB2_1-.Ltmp0, $4  }
0x18: {  	v8 =	vlaneseq.u32;
	s10 =	simm.s32 $0x16080;
	[dreg:$0x7] =	wrdreg s9;
	s14 =	sshrl.u32 s14, $0x3  }
0x19: {  	vm0 =	vmmov $0xffff;
	v11 =	vshrl.u32 v8, $0x3;
	s9 =	simm.s32 $0xA080;
	s13 =	sadd.s32 s14, s5;
	s14 =	sadd.s32 s19, s5  }
0x1a: {  	v10 =	vand.u32 $0x7, v8;
	v12 =	vor.u32 $0x8, v8;
	v11 =	vmul.u32 $0x8, v11;
	s5 =	sadd.s32 s23, s5;
	s23 =	sor.u32 $0x50, s2;
	s19 =	simm.s32 $0x6080  }
0x1b: {  	v1 =	vmov s2;
	v3 =	vmov s18;
	s15 =	sadd.s32 s15, s5;
	s5 =	simm.s32 $0x9;
	v7 =	vmov s23;
	s23 =	simm.s32 $0xF  }
.LBB2_13:
0x1c: {  	_ =	swait.ge [sflag:s5], $0x4000  }
0x1d: {  	[sflag:s5] =	ssyncset.done $0x0  }
0x1e: {  	s2 =	simm.s32 $0xA;
	[sflag:s5] =	ssyncadd.s32 $0xFFFFC000  }
0x1f: {  	_ =	swait.ge [sflag:s2], $0x4000  }
0x20: {  	[sflag:s2] =	ssyncset.done $0x0  }
0x21: {  	s17 =	simm.s32 $0xB;
	[sflag:s2] =	ssyncadd.s32 $0xFFFFC000  }
0x22: {  	_ =	swait.ge [sflag:s17], $0x4000  }
0x23: {  	[sflag:s17] =	ssyncset.done $0x0  }
0x24: {  	s18 =	simm.s32 $0xC;
	[sflag:s17] =	ssyncadd.s32 $0xFFFFC000  }
0x25: {  	_ =	swait.ge [sflag:s18], $0x4000  }
0x26: {  	[sflag:s18] =	ssyncset.done $0x0  }
0x27: {  	[sflag:s18] =	ssyncadd.s32 $0xFFFFC000  }
0x28: {  	_ =	swait.ge [sflag:s21], $0x4000  }
0x29: {  	[sflag:s21] =	ssyncset.done $0x0  }
0x2a: {  	[sflag:s21] =	ssyncadd.s32 $0xFFFFC000  }
0x2b: {  	_ =	swait.ge [sflag:s22], $0x4000  }
0x2c: {  	[sflag:s22] =	ssyncset.done $0x0  }
0x2d: {  	[sflag:s22] =	ssyncadd.s32 $0xFFFFC000  }
0x2e: {  	_ =	swait.ge [sflag:s23], $0x4000  }
0x2f: {  	s3 =	rddreg [dreg:$0x9]  }
0x30: {  	s19 =	rddreg [dreg:$0x5];
	s3 =	sadd.s32 $0x1, s3  }
0x31: {  	p0 =	sne.s32 s3, s19  }
.Ltmp1:
0x32: {  	_ = 	snop;
	(pc) =	sbr.rel @!p0 .LBB2_14-.Ltmp1, $3  }
0x33: {  	_ =	sdelay $0x1  }
0x34: {  	[sflag:s23] =	ssyncset.done $0x0  }
0x35: {  	s17 =	simm.s32 $0xE080;
	[sflag:s23] =	ssyncadd.s32 $0xFFFFC000;
	s19 =	simm.s32 $0x6080  }
.LBB2_1:
0x36: {  	[dreg:$0x9] =	wrdreg s3  }
0x37: {  	s2 =	rddreg [dreg:$0x1]  }
0x38: {  	[tilespmem:s4], [sflag:$0x1] =	stream.linear.gather [hbm4b:s2+s4], $0x2000, $0x38;
	[tilespmem:$0x1E080] =	vst v63  }
0x39: {  	s18 =	rddreg [dreg:$0x2];
	s3 =	simm.s32 $0x2000  }
0x3a: {  	[tilespmem:s3], [sflag:$0x1] =	stream.linear.gather [hbm4b:s18+s4], $0x80, $0x38;
	[tilespmem:$0x1E080] =	vst v63  }
0x3b: {  	s18 =	simm.s32 $0x1  }
0x3c: {  	_ =	swait.ge [sflag:s18], $0x2000  }
0x3d: {  	[sflag:s18] =	ssyncset.done $0x0  }
0x3e: {  	[sflag:s18] =	ssyncadd.s32 $0xFFFFE000  }
0x3f: {  	_ =	swait.ge [sflag:s18], $0x80  }
0x40: {  	[sflag:s18] =	ssyncset.done $0x0  }
0x41: {  	[sflag:s18] =	ssyncadd.s32 $0xFFFFFF80  }
0x42: {  	v13 =	vld.idx.msk [tilespmem:v0+s3+$0x0], $0xffff;
	_ =	sdelay $0x4  }
0x43: {  	v13 =	vadd.s32 v8, v13  }
0x44: {  	v14 =	vadd.s32 v1, v13  }
0x45: {  	v15 =	vand.u32 $0x7F, v13;
	v14 =	vand.u32 $0x1F80, v14  }
0x46: {  	v14 =	vor.u32 v15, v14;
	_ =	sdelay $0x4  }
0x47: {  	v14 =	vld.idx.msk [tilespmem:v14+s4+$0x0], $0xffff;
	_ =	sdelay $0x4  }
0x48: {  	v15 =	vadd.s32 v2, v14  }
0x49: {  	v15 =	vshll.u32 v15, $0x3  }
0x4a: {  	v14 =	vand.u32 $0x7, v14;
	v15 =	vand.u32 $0xFFFFFFC0, v15  }
0x4b: {  	v14 =	vor.u32 v14, v15  }
0x4c: {  	v15 =	vperm.xlane v14, v10;
	_ =	sdelay $0x1  }
0x4d: {  	v15 =	vadd.s32 v11, v15;
	_ =	sdelay $0x4  }
0x4e: {  	[tilespmem:s20], [sflag:$0x2] =	stream.indirect_vreg.gather [hbm4b:s1+s4], $0x80, v15, vm0, $0xb8;
	[tilespmem:$0x1E080] =	vst v63  }
0x4f: {  	s3 =	simm.s32 $0x2880;
	v14 =	vperm.xlane v14, v12  }
0x50: {  	[tilespmem:s3], [sflag:$0x2] =	stream.indirect_vreg.gather [hbm4b:s6+s4], $0x80, v15, vm0, $0xb8;
	[tilespmem:$0x1E080] =	vst v63  }
0x51: {  	s18 =	simm.s32 $0x3080;
	v14 =	vadd.s32 v11, v14  }
0x52: {  	[tilespmem:s18], [sflag:$0x2] =	stream.indirect_vreg.gather [hbm4b:s7+s4], $0x80, v15, vm0, $0xb8;
	[tilespmem:$0x1E080] =	vst v63  }
0x53: {  	s3 =	simm.s32 $0x3880  }
0x54: {  	[tilespmem:s3], [sflag:$0x2] =	stream.indirect_vreg.gather [hbm4b:s8+s4], $0x80, v15, vm0, $0xb8;
	[tilespmem:$0x1E080] =	vst v63  }
0x55: {  	s18 =	simm.s32 $0x4080  }
0x56: {  	[tilespmem:s18], [sflag:$0x2] =	stream.indirect_vreg.gather [hbm4b:s1+s4], $0x80, v14, vm0, $0xb8;
	[tilespmem:$0x1E080] =	vst v63  }
0x57: {  	v15 =	vadd.s32 v3, v13;
	s3 =	simm.s32 $0x4880  }
0x58: {  	v15 =	vand.u32 $0x1FFF, v15;
	[tilespmem:s3], [sflag:$0x2] =	stream.indirect_vreg.gather [hbm4b:s6+s4], $0x80, v14, vm0, $0xb8;
	[tilespmem:$0x1E080] =	vst v63  }
0x59: {  	s18 =	simm.s32 $0x5080  }
0x5a: {  	[tilespmem:s18], [sflag:$0x2] =	stream.indirect_vreg.gather [hbm4b:s7+s4], $0x80, v14, vm0, $0xb8;
	[tilespmem:$0x1E080] =	vst v63  }
0x5b: {  	s3 =	simm.s32 $0x5880  }
0x5c: {  	[tilespmem:s3], [sflag:$0x2] =	stream.indirect_vreg.gather [hbm4b:s8+s4], $0x80, v14, vm0, $0xb8;
	[tilespmem:$0x1E080] =	vst v63  }
0x5d: {  	v14 =	vld.idx.msk [tilespmem:v15+s4+$0x0], $0xffff;
	_ =	sdelay $0x4  }
0x5e: {  	v15 =	vadd.s32 v2, v14  }
0x5f: {  	v15 =	vshll.u32 v15, $0x3  }
0x60: {  	v14 =	vand.u32 $0x7, v14;
	v15 =	vand.u32 $0xFFFFFFC0, v15  }
0x61: {  	v14 =	vor.u32 v14, v15  }
0x62: {  	v15 =	vperm.xlane v14, v10;
	_ =	sdelay $0x1  }
0x63: {  	v15 =	vadd.s32 v11, v15;
	_ =	sdelay $0x4  }
0x64: {  	[tilespmem:s19], [sflag:$0x3] =	stream.indirect_vreg.gather [hbm4b:s1+s4], $0x80, v15, vm0, $0xb8;
	[tilespmem:$0x1E080] =	vst v63  }
0x65: {  	s18 =	simm.s32 $0x6880;
	v14 =	vperm.xlane v14, v12  }
0x66: {  	[tilespmem:s18], [sflag:$0x3] =	stream.indirect_vreg.gather [hbm4b:s6+s4], $0x80, v15, vm0, $0xb8;
	[tilespmem:$0x1E080] =	vst v63  }
0x67: {  	v14 =	vadd.s32 v11, v14;
	s19 =	simm.s32 $0x7080  }
0x68: {  	[tilespmem:s19], [sflag:$0x3] =	stream.indirect_vreg.gather [hbm4b:s7+s4], $0x80, v15, vm0, $0xb8;
	[tilespmem:$0x1E080] =	vst v63  }
0x69: {  	s3 =	simm.s32 $0x7880  }
0x6a: {  	[tilespmem:s3], [sflag:$0x3] =	stream.indirect_vreg.gather [hbm4b:s8+s4], $0x80, v15, vm0, $0xb8;
	[tilespmem:$0x1E080] =	vst v63  }
0x6b: {  	s18 =	simm.s32 $0x8080  }
0x6c: {  	[tilespmem:s18], [sflag:$0x3] =	stream.indirect_vreg.gather [hbm4b:s1+s4], $0x80, v14, vm0, $0xb8;
	[tilespmem:$0x1E080] =	vst v63  }
0x6d: {  	s19 =	simm.s32 $0x8880;
	v15 =	vadd.s32 v4, v13  }
0x6e: {  	v15 =	vand.u32 $0x1FFF, v15;
	[tilespmem:s19], [sflag:$0x3] =	stream.indirect_vreg.gather [hbm4b:s6+s4], $0x80, v14, vm0, $0xb8;
	[tilespmem:$0x1E080] =	vst v63  }
0x6f: {  	s3 =	simm.s32 $0x9080  }
0x70: {  	[tilespmem:s3], [sflag:$0x3] =	stream.indirect_vreg.gather [hbm4b:s7+s4], $0x80, v14, vm0, $0xb8;
	[tilespmem:$0x1E080] =	vst v63  }
0x71: {  	s18 =	simm.s32 $0x9880  }
0x72: {  	[tilespmem:s18], [sflag:$0x3] =	stream.indirect_vreg.gather [hbm4b:s8+s4], $0x80, v14, vm0, $0xb8;
	[tilespmem:$0x1E080] =	vst v63  }
0x73: {  	v14 =	vld.idx.msk [tilespmem:v15+s4+$0x0], $0xffff;
	_ =	sdelay $0x4  }
0x74: {  	v15 =	vadd.s32 v2, v14  }
0x75: {  	v15 =	vshll.u32 v15, $0x3  }
0x76: {  	v14 =	vand.u32 $0x7, v14;
	v15 =	vand.u32 $0xFFFFFFC0, v15  }
0x77: {  	v14 =	vor.u32 v14, v15  }
0x78: {  	v15 =	vperm.xlane v14, v10;
	_ =	sdelay $0x1  }
0x79: {  	v15 =	vadd.s32 v11, v15;
	_ =	sdelay $0x4  }
0x7a: {  	[tilespmem:s9], [sflag:$0x4] =	stream.indirect_vreg.gather [hbm4b:s1+s4], $0x80, v15, vm0, $0xb8;
	[tilespmem:$0x1E080] =	vst v63  }
0x7b: {  	s19 =	simm.s32 $0xA880;
	v14 =	vperm.xlane v14, v12  }
0x7c: {  	[tilespmem:s19], [sflag:$0x4] =	stream.indirect_vreg.gather [hbm4b:s6+s4], $0x80, v15, vm0, $0xb8;
	[tilespmem:$0x1E080] =	vst v63  }
0x7d: {  	s3 =	simm.s32 $0xB080;
	v14 =	vadd.s32 v11, v14  }
0x7e: {  	[tilespmem:s3], [sflag:$0x4] =	stream.indirect_vreg.gather [hbm4b:s7+s4], $0x80, v15, vm0, $0xb8;
	[tilespmem:$0x1E080] =	vst v63  }
0x7f: {  	s18 =	simm.s32 $0xB880  }
0x80: {  	[tilespmem:s18], [sflag:$0x4] =	stream.indirect_vreg.gather [hbm4b:s8+s4], $0x80, v15, vm0, $0xb8;
	[tilespmem:$0x1E080] =	vst v63  }
0x81: {  	s19 =	simm.s32 $0xC080  }
0x82: {  	[tilespmem:s19], [sflag:$0x4] =	stream.indirect_vreg.gather [hbm4b:s1+s4], $0x80, v14, vm0, $0xb8;
	[tilespmem:$0x1E080] =	vst v63  }
0x83: {  	s3 =	simm.s32 $0xC880;
	v15 =	vadd.s32 v5, v13  }
0x84: {  	v15 =	vand.u32 $0x1FFF, v15;
	[tilespmem:s3], [sflag:$0x4] =	stream.indirect_vreg.gather [hbm4b:s6+s4], $0x80, v14, vm0, $0xb8;
	[tilespmem:$0x1E080] =	vst v63  }
0x85: {  	s18 =	simm.s32 $0xD080  }
0x86: {  	[tilespmem:s18], [sflag:$0x4] =	stream.indirect_vreg.gather [hbm4b:s7+s4], $0x80, v14, vm0, $0xb8;
	[tilespmem:$0x1E080] =	vst v63  }
0x87: {  	s19 =	simm.s32 $0xD880  }
0x88: {  	[tilespmem:s19], [sflag:$0x4] =	stream.indirect_vreg.gather [hbm4b:s8+s4], $0x80, v14, vm0, $0xb8;
	[tilespmem:$0x1E080] =	vst v63  }
0x89: {  	v14 =	vld.idx.msk [tilespmem:v15+s4+$0x0], $0xffff;
	_ =	sdelay $0x4  }
0x8a: {  	v15 =	vadd.s32 v2, v14  }
0x8b: {  	v15 =	vshll.u32 v15, $0x3  }
0x8c: {  	v14 =	vand.u32 $0x7, v14;
	v15 =	vand.u32 $0xFFFFFFC0, v15  }
0x8d: {  	v14 =	vor.u32 v14, v15  }
0x8e: {  	v15 =	vperm.xlane v14, v10;
	_ =	sdelay $0x1  }
0x8f: {  	v15 =	vadd.s32 v11, v15;
	_ =	sdelay $0x4  }
0x90: {  	[tilespmem:s17], [sflag:$0x5] =	stream.indirect_vreg.gather [hbm4b:s1+s4], $0x80, v15, vm0, $0xb8;
	[tilespmem:$0x1E080] =	vst v63  }
0x91: {  	s3 =	simm.s32 $0xE880;
	v14 =	vperm.xlane v14, v12  }
0x92: {  	[tilespmem:s3], [sflag:$0x5] =	stream.indirect_vreg.gather [hbm4b:s6+s4], $0x80, v15, vm0, $0xb8;
	[tilespmem:$0x1E080] =	vst v63  }
0x93: {  	v14 =	vadd.s32 v11, v14;
	s17 =	simm.s32 $0xF080  }
0x94: {  	[tilespmem:s17], [sflag:$0x5] =	stream.indirect_vreg.gather [hbm4b:s7+s4], $0x80, v15, vm0, $0xb8;
	[tilespmem:$0x1E080] =	vst v63  }
0x95: {  	s18 =	simm.s32 $0xF880  }
0x96: {  	[tilespmem:s18], [sflag:$0x5] =	stream.indirect_vreg.gather [hbm4b:s8+s4], $0x80, v15, vm0, $0xb8;
	[tilespmem:$0x1E080] =	vst v63  }
0x97: {  	s19 =	simm.s32 $0x10080  }
0x98: {  	[tilespmem:s19], [sflag:$0x5] =	stream.indirect_vreg.gather [hbm4b:s1+s4], $0x80, v14, vm0, $0xb8;
	[tilespmem:$0x1E080] =	vst v63  }
0x99: {  	s3 =	simm.s32 $0x10880;
	v15 =	vadd.s32 v6, v13  }
0x9a: {  	v15 =	vand.u32 $0x1FFF, v15;
	[tilespmem:s3], [sflag:$0x5] =	stream.indirect_vreg.gather [hbm4b:s6+s4], $0x80, v14, vm0, $0xb8;
	[tilespmem:$0x1E080] =	vst v63  }
0x9b: {  	s17 =	simm.s32 $0x11080  }
0x9c: {  	[tilespmem:s17], [sflag:$0x5] =	stream.indirect_vreg.gather [hbm4b:s7+s4], $0x80, v14, vm0, $0xb8;
	[tilespmem:$0x1E080] =	vst v63  }
0x9d: {  	s18 =	simm.s32 $0x11880  }
0x9e: {  	[tilespmem:s18], [sflag:$0x5] =	stream.indirect_vreg.gather [hbm4b:s8+s4], $0x80, v14, vm0, $0xb8;
	[tilespmem:$0x1E080] =	vst v63  }
0x9f: {  	v14 =	vld.idx.msk [tilespmem:v15+s4+$0x0], $0xffff;
	_ =	sdelay $0x4  }
0xa0: {  	v15 =	vadd.s32 v2, v14  }
0xa1: {  	v15 =	vshll.u32 v15, $0x3  }
0xa2: {  	v14 =	vand.u32 $0x7, v14;
	v15 =	vand.u32 $0xFFFFFFC0, v15  }
0xa3: {  	v14 =	vor.u32 v14, v15  }
0xa4: {  	v15 =	vperm.xlane v14, v10;
	_ =	sdelay $0x1  }
0xa5: {  	v15 =	vadd.s32 v11, v15;
	_ =	sdelay $0x4  }
0xa6: {  	[tilespmem:s30], [sflag:$0x6] =	stream.indirect_vreg.gather [hbm4b:s1+s4], $0x80, v15, vm0, $0xb8;
	[tilespmem:$0x1E080] =	vst v63  }
0xa7: {  	s19 =	simm.s32 $0x12880;
	v14 =	vperm.xlane v14, v12  }
0xa8: {  	[tilespmem:s19], [sflag:$0x6] =	stream.indirect_vreg.gather [hbm4b:s6+s4], $0x80, v15, vm0, $0xb8;
	[tilespmem:$0x1E080] =	vst v63  }
0xa9: {  	s3 =	simm.s32 $0x13080;
	v14 =	vadd.s32 v11, v14  }
0xaa: {  	[tilespmem:s3], [sflag:$0x6] =	stream.indirect_vreg.gather [hbm4b:s7+s4], $0x80, v15, vm0, $0xb8;
	[tilespmem:$0x1E080] =	vst v63  }
0xab: {  	s17 =	simm.s32 $0x13880  }
0xac: {  	[tilespmem:s17], [sflag:$0x6] =	stream.indirect_vreg.gather [hbm4b:s8+s4], $0x80, v15, vm0, $0xb8;
	[tilespmem:$0x1E080] =	vst v63  }
0xad: {  	s18 =	simm.s32 $0x14080  }
0xae: {  	[tilespmem:s18], [sflag:$0x6] =	stream.indirect_vreg.gather [hbm4b:s1+s4], $0x80, v14, vm0, $0xb8;
	[tilespmem:$0x1E080] =	vst v63  }
0xaf: {  	s19 =	simm.s32 $0x14880;
	v15 =	vadd.s32 v7, v13  }
0xb0: {  	v15 =	vand.u32 $0x1FFF, v15;
	[tilespmem:s19], [sflag:$0x6] =	stream.indirect_vreg.gather [hbm4b:s6+s4], $0x80, v14, vm0, $0xb8;
	[tilespmem:$0x1E080] =	vst v63  }
0xb1: {  	s3 =	simm.s32 $0x15080  }
0xb2: {  	[tilespmem:s3], [sflag:$0x6] =	stream.indirect_vreg.gather [hbm4b:s7+s4], $0x80, v14, vm0, $0xb8;
	[tilespmem:$0x1E080] =	vst v63  }
0xb3: {  	s17 =	simm.s32 $0x15880  }
0xb4: {  	[tilespmem:s17], [sflag:$0x6] =	stream.indirect_vreg.gather [hbm4b:s8+s4], $0x80, v14, vm0, $0xb8;
	[tilespmem:$0x1E080] =	vst v63  }
0xb5: {  	v14 =	vld.idx.msk [tilespmem:v15+s4+$0x0], $0xffff;
	_ =	sdelay $0x4  }
0xb6: {  	v15 =	vadd.s32 v2, v14  }
0xb7: {  	v15 =	vshll.u32 v15, $0x3  }
0xb8: {  	v14 =	vand.u32 $0x7, v14;
	v15 =	vand.u32 $0xFFFFFFC0, v15  }
0xb9: {  	v14 =	vor.u32 v14, v15  }
0xba: {  	v15 =	vperm.xlane v14, v10;
	_ =	sdelay $0x1  }
0xbb: {  	v15 =	vadd.s32 v11, v15;
	_ =	sdelay $0x4  }
0xbc: {  	[tilespmem:s10], [sflag:$0x7] =	stream.indirect_vreg.gather [hbm4b:s1+s4], $0x80, v15, vm0, $0xb8;
	[tilespmem:$0x1E080] =	vst v63  }
0xbd: {  	s18 =	simm.s32 $0x16880;
	v14 =	vperm.xlane v14, v12  }
0xbe: {  	[tilespmem:s18], [sflag:$0x7] =	stream.indirect_vreg.gather [hbm4b:s6+s4], $0x80, v15, vm0, $0xb8;
	[tilespmem:$0x1E080] =	vst v63  }
0xbf: {  	s19 =	simm.s32 $0x17080;
	v14 =	vadd.s32 v11, v14  }
0xc0: {  	[tilespmem:s19], [sflag:$0x7] =	stream.indirect_vreg.gather [hbm4b:s7+s4], $0x80, v15, vm0, $0xb8;
	[tilespmem:$0x1E080] =	vst v63  }
0xc1: {  	s3 =	simm.s32 $0x17880  }
0xc2: {  	[tilespmem:s3], [sflag:$0x7] =	stream.indirect_vreg.gather [hbm4b:s8+s4], $0x80, v15, vm0, $0xb8;
	[tilespmem:$0x1E080] =	vst v63  }
0xc3: {  	s17 =	simm.s32 $0x18080  }
0xc4: {  	[tilespmem:s17], [sflag:$0x7] =	stream.indirect_vreg.gather [hbm4b:s1+s4], $0x80, v14, vm0, $0xb8;
	[tilespmem:$0x1E080] =	vst v63  }
0xc5: {  	s18 =	simm.s32 $0x18880;
	v15 =	vadd.s32 v9, v13  }
0xc6: {  	v15 =	vand.u32 $0x1FFF, v15;
	[tilespmem:s18], [sflag:$0x7] =	stream.indirect_vreg.gather [hbm4b:s6+s4], $0x80, v14, vm0, $0xb8;
	[tilespmem:$0x1E080] =	vst v63  }
0xc7: {  	s19 =	simm.s32 $0x19080  }
0xc8: {  	[tilespmem:s19], [sflag:$0x7] =	stream.indirect_vreg.gather [hbm4b:s7+s4], $0x80, v14, vm0, $0xb8;
	[tilespmem:$0x1E080] =	vst v63  }
0xc9: {  	s3 =	simm.s32 $0x19880  }
0xca: {  	[tilespmem:s3], [sflag:$0x7] =	stream.indirect_vreg.gather [hbm4b:s8+s4], $0x80, v14, vm0, $0xb8;
	[tilespmem:$0x1E080] =	vst v63  }
0xcb: {  	v14 =	vld.idx.msk [tilespmem:v15+s4+$0x0], $0xffff;
	_ =	sdelay $0x4  }
0xcc: {  	v15 =	vadd.s32 v2, v14  }
0xcd: {  	v15 =	vshll.u32 v15, $0x3  }
0xce: {  	v14 =	vand.u32 $0x7, v14;
	v15 =	vand.u32 $0xFFFFFFC0, v15  }
0xcf: {  	v14 =	vor.u32 v14, v15  }
0xd0: {  	v15 =	vperm.xlane v14, v10;
	_ =	sdelay $0x1  }
0xd1: {  	v15 =	vadd.s32 v11, v15;
	_ =	sdelay $0x4  }
0xd2: {  	[tilespmem:s31], [sflag:$0x8] =	stream.indirect_vreg.gather [hbm4b:s1+s4], $0x80, v15, vm0, $0xb8;
	[tilespmem:$0x1E080] =	vst v63  }
0xd3: {  	s17 =	simm.s32 $0x1A880;
	v14 =	vperm.xlane v14, v12  }
0xd4: {  	[tilespmem:s17], [sflag:$0x8] =	stream.indirect_vreg.gather [hbm4b:s6+s4], $0x80, v15, vm0, $0xb8;
	[tilespmem:$0x1E080] =	vst v63  }
0xd5: {  	s18 =	simm.s32 $0x1B080;
	v14 =	vadd.s32 v11, v14  }
0xd6: {  	[tilespmem:s18], [sflag:$0x8] =	stream.indirect_vreg.gather [hbm4b:s7+s4], $0x80, v15, vm0, $0xb8;
	[tilespmem:$0x1E080] =	vst v63  }
0xd7: {  	s19 =	simm.s32 $0x1B880  }
0xd8: {  	[tilespmem:s19], [sflag:$0x8] =	stream.indirect_vreg.gather [hbm4b:s8+s4], $0x80, v15, vm0, $0xb8;
	[tilespmem:$0x1E080] =	vst v63  }
0xd9: {  	s3 =	simm.s32 $0x1C080  }
0xda: {  	[tilespmem:s3], [sflag:$0x8] =	stream.indirect_vreg.gather [hbm4b:s1+s4], $0x80, v14, vm0, $0xb8;
	[tilespmem:$0x1E080] =	vst v63  }
0xdb: {  	s17 =	simm.s32 $0x1C880  }
0xdc: {  	[tilespmem:s17], [sflag:$0x8] =	stream.indirect_vreg.gather [hbm4b:s6+s4], $0x80, v14, vm0, $0xb8;
	[tilespmem:$0x1E080] =	vst v63  }
.Ltmp2:
0xdd: {  	_ = 	snop;
	(pc) =	sbr.rel .LBB2_2-.Ltmp2, $4  }
0xde: {  	s2 =	simm.s32 $0x0;
	s18 =	simm.s32 $0x1D080  }
0xdf: {  	[tilespmem:s18], [sflag:$0x8] =	stream.indirect_vreg.gather [hbm4b:s7+s4], $0x80, v14, vm0, $0xb8;
	[tilespmem:$0x1E080] =	vst v63  }
0xe0: {  	s19 =	simm.s32 $0x1D880;
	s3 =	rddreg [dreg:$0x6];
	s18 =	simm.s32 $0x0  }
0xe1: {  	[tilespmem:s19], [sflag:$0x8] =	stream.indirect_vreg.gather [hbm4b:s8+s4], $0x80, v14, vm0, $0xb8;
	[tilespmem:$0x1E080] =	vst v63  }
.LBB2_11:
0xe2: {  	_ =	swait.ge [sflag:s16], $0x4000  }
0xe3: {  	[sflag:s16] =	ssyncset.done $0x0;
	s17 =	rddreg [dreg:$0x7]  }
0xe4: {  	s10 =	simm.s32 $0x16080;
	[sflag:s16] =	ssyncadd.s32 $0xFFFFC000;
	s19 =	sadd.s32 s2, s17  }
0xe5: {  	[hbm4b:s19+s4] =	stream.linear.scatter [tilespmem:s31], [sflag:$0xF], $0x4000, $0x38;
	[tilespmem:$0x1E080] =	vst v63  }
.LBB2_12:
0xe6: {  	s2 =	sadd.s32 $0x3800, s2  }
0xe7: {  	p0 =	sne.s32 s2, $0x23000  }
.Ltmp3:
0xe8: {  	_ = 	snop;
	(pc) =	sbr.rel @!p0 .LBB2_13-.Ltmp3, $2  }
0xe9: {  	_ =	sdelay $0x2  }
0xea: {  	s18 =	sadd.s32 $0x1, s18;
	s3 =	sadd.s32 $0x70, s3  }
.LBB2_2:
0xeb: {  	p0 =	seq.s32 s2, $0x1F800  }
.Ltmp4:
0xec: {  	_ = 	snop;
	(pc) =	sbr.rel @p0 .LBB2_13-.Ltmp4, $4  }
0xed: {  	_ =	swait.ge [sflag:s0], $0x4000  }
0xee: {  	[sflag:s0] =	ssyncset.done $0x0  }
0xef: {  	s19 =	sadd.s32 s2, s15;
	[sflag:s0] =	ssyncadd.s32 $0xFFFFC000  }
0xf0: {  	[hbm4b:s19+s4] =	stream.linear.scatter [tilespmem:s20], [sflag:$0x9], $0x4000, $0x38;
	[tilespmem:$0x1E080] =	vst v63  }
0xf1: {  	s19 =	sadd.s32 $0xFFFFFFA0, s3  }
0xf2: {  	v14 =	vadd.s32 s19, v13  }
0xf3: {  	v14 =	vand.u32 $0x1FFF, v14;
	_ =	sdelay $0x1  }
0xf4: {  	_ =	swait.ge [sflag:s5], $0x4000  }
0xf5: {  	[sflag:s5] =	ssyncset.done $0x0  }
0xf6: {  	[sflag:s5] =	ssyncadd.s32 $0xFFFFC000  }
0xf7: {  	v14 =	vld.idx.msk [tilespmem:v14+s4+$0x0], $0xffff;
	_ =	sdelay $0x4  }
0xf8: {  	v15 =	vadd.s32 v2, v14  }
0xf9: {  	v15 =	vshll.u32 v15, $0x3  }
0xfa: {  	v14 =	vand.u32 $0x7, v14;
	v15 =	vand.u32 $0xFFFFFFC0, v15  }
0xfb: {  	v14 =	vor.u32 v14, v15  }
0xfc: {  	v15 =	vperm.xlane v14, v10;
	_ =	sdelay $0x1  }
0xfd: {  	v15 =	vadd.s32 v11, v15;
	_ =	sdelay $0x4  }
0xfe: {  	[tilespmem:s20], [sflag:$0x2] =	stream.indirect_vreg.gather [hbm4b:s1+s4], $0x80, v15, vm0, $0xb8;
	[tilespmem:$0x1E080] =	vst v63  }
0xff: {  	s17 =	simm.s32 $0x2880;
	v14 =	vperm.xlane v14, v12  }
0x100: {  	[tilespmem:s17], [sflag:$0x2] =	stream.indirect_vreg.gather [hbm4b:s6+s4], $0x80, v15, vm0, $0xb8;
	[tilespmem:$0x1E080] =	vst v63  }
0x101: {  	s10 =	simm.s32 $0x3080;
	v14 =	vadd.s32 v11, v14  }
0x102: {  	[tilespmem:s10], [sflag:$0x2] =	stream.indirect_vreg.gather [hbm4b:s7+s4], $0x80, v15, vm0, $0xb8;
	[tilespmem:$0x1E080] =	vst v63  }
0x103: {  	s17 =	simm.s32 $0x3880  }
0x104: {  	[tilespmem:s17], [sflag:$0x2] =	stream.indirect_vreg.gather [hbm4b:s8+s4], $0x80, v15, vm0, $0xb8;
	[tilespmem:$0x1E080] =	vst v63  }
0x105: {  	s10 =	simm.s32 $0x4080  }
0x106: {  	[tilespmem:s10], [sflag:$0x2] =	stream.indirect_vreg.gather [hbm4b:s1+s4], $0x80, v14, vm0, $0xb8;
	[tilespmem:$0x1E080] =	vst v63  }
0x107: {  	s17 =	simm.s32 $0x4880  }
0x108: {  	[tilespmem:s17], [sflag:$0x2] =	stream.indirect_vreg.gather [hbm4b:s6+s4], $0x80, v14, vm0, $0xb8;
	[tilespmem:$0x1E080] =	vst v63  }
0x109: {  	s10 =	simm.s32 $0x5080  }
0x10a: {  	[tilespmem:s10], [sflag:$0x2] =	stream.indirect_vreg.gather [hbm4b:s7+s4], $0x80, v14, vm0, $0xb8;
	[tilespmem:$0x1E080] =	vst v63  }
0x10b: {  	p0 =	sgt.u32 s18, $0x7;
	s17 =	simm.s32 $0x5880  }
0x10c: {  	[tilespmem:s17], [sflag:$0x2] =	stream.indirect_vreg.gather [hbm4b:s8+s4], $0x80, v14, vm0, $0xb8;
	[tilespmem:$0x1E080] =	vst v63  }
.Ltmp5:
0x10d: {  	_ = 	snop;
	(pc) =	sbr.rel @p0 .LBB2_5-.Ltmp5, $4  }
0x10e: {  	_ =	swait.ge [sflag:s24], $0x4000  }
0x10f: {  	[sflag:s24] =	ssyncset.done $0x0  }
0x110: {  	s10 =	sadd.s32 s2, s14;
	s17 =	simm.s32 $0x6080;
	[sflag:s24] =	ssyncadd.s32 $0xFFFFC000  }
0x111: {  	[hbm4b:s10+s4] =	stream.linear.scatter [tilespmem:s17], [sflag:$0xA], $0x4000, $0x38;
	[tilespmem:$0x1E080] =	vst v63  }
0x112: {  	s19 =	sadd.s32 $0xFFFFFFB0, s3  }
0x113: {  	v14 =	vadd.s32 s19, v13  }
0x114: {  	v14 =	vand.u32 $0x1FFF, v14  }
0x115: {  	s9 =	simm.s32 $0xA  }
0x116: {  	_ =	swait.ge [sflag:s9], $0x4000  }
0x117: {  	[sflag:s9] =	ssyncset.done $0x0  }
0x118: {  	[sflag:s9] =	ssyncadd.s32 $0xFFFFC000  }
0x119: {  	v14 =	vld.idx.msk [tilespmem:v14+s4+$0x0], $0xffff;
	_ =	sdelay $0x4  }
0x11a: {  	v15 =	vadd.s32 v2, v14  }
0x11b: {  	v15 =	vshll.u32 v15, $0x3  }
0x11c: {  	v14 =	vand.u32 $0x7, v14;
	v15 =	vand.u32 $0xFFFFFFC0, v15  }
0x11d: {  	v14 =	vor.u32 v14, v15  }
0x11e: {  	v15 =	vperm.xlane v14, v10;
	_ =	sdelay $0x1  }
0x11f: {  	v15 =	vadd.s32 v11, v15;
	_ =	sdelay $0x4  }
0x120: {  	[tilespmem:s17], [sflag:$0x3] =	stream.indirect_vreg.gather [hbm4b:s1+s4], $0x80, v15, vm0, $0xb8;
	[tilespmem:$0x1E080] =	vst v63  }
0x121: {  	s10 =	simm.s32 $0x6880;
	v14 =	vperm.xlane v14, v12  }
0x122: {  	[tilespmem:s10], [sflag:$0x3] =	stream.indirect_vreg.gather [hbm4b:s6+s4], $0x80, v15, vm0, $0xb8;
	[tilespmem:$0x1E080] =	vst v63  }
0x123: {  	s19 =	simm.s32 $0x7080;
	v14 =	vadd.s32 v11, v14  }
0x124: {  	[tilespmem:s19], [sflag:$0x3] =	stream.indirect_vreg.gather [hbm4b:s7+s4], $0x80, v15, vm0, $0xb8;
	[tilespmem:$0x1E080] =	vst v63  }
0x125: {  	s9 =	simm.s32 $0x7880  }
0x126: {  	[tilespmem:s9], [sflag:$0x3] =	stream.indirect_vreg.gather [hbm4b:s8+s4], $0x80, v15, vm0, $0xb8;
	[tilespmem:$0x1E080] =	vst v63  }
0x127: {  	s10 =	simm.s32 $0x8080  }
0x128: {  	[tilespmem:s10], [sflag:$0x3] =	stream.indirect_vreg.gather [hbm4b:s1+s4], $0x80, v14, vm0, $0xb8;
	[tilespmem:$0x1E080] =	vst v63  }
0x129: {  	s19 =	simm.s32 $0x8880  }
0x12a: {  	[tilespmem:s19], [sflag:$0x3] =	stream.indirect_vreg.gather [hbm4b:s6+s4], $0x80, v14, vm0, $0xb8;
	[tilespmem:$0x1E080] =	vst v63  }
0x12b: {  	s9 =	simm.s32 $0x9080  }
0x12c: {  	[tilespmem:s9], [sflag:$0x3] =	stream.indirect_vreg.gather [hbm4b:s7+s4], $0x80, v14, vm0, $0xb8;
	[tilespmem:$0x1E080] =	vst v63  }
0x12d: {  	s10 =	simm.s32 $0x9880  }
0x12e: {  	[tilespmem:s10], [sflag:$0x3] =	stream.indirect_vreg.gather [hbm4b:s8+s4], $0x80, v14, vm0, $0xb8;
	[tilespmem:$0x1E080] =	vst v63  }
0x12f: {  	s17 =	sadd.s32 $0xFFFFFFC0, s3;
	_ =	swait.ge [sflag:s25], $0x4000  }
0x130: {  	s9 =	sadd.s32 s2, s11;
	v14 =	vadd.s32 s17, v13;
	[sflag:s25] =	ssyncset.done $0x0  }
0x131: {  	s17 =	simm.s32 $0xA080;
	s10 =	simm.s32 $0xB;
	v14 =	vand.u32 $0x1FFF, v14;
	[sflag:s25] =	ssyncadd.s32 $0xFFFFC000  }
0x132: {  	[hbm4b:s9+s4] =	stream.linear.scatter [tilespmem:s17], [sflag:$0xB], $0x4000, $0x38;
	[tilespmem:$0x1E080] =	vst v63  }
0x133: {  	_ =	swait.ge [sflag:s10], $0x4000  }
0x134: {  	[sflag:s10] =	ssyncset.done $0x0  }
0x135: {  	[sflag:s10] =	ssyncadd.s32 $0xFFFFC000  }
0x136: {  	v14 =	vld.idx.msk [tilespmem:v14+s4+$0x0], $0xffff;
	_ =	sdelay $0x4  }
0x137: {  	v15 =	vadd.s32 v2, v14  }
0x138: {  	v15 =	vshll.u32 v15, $0x3  }
0x139: {  	v14 =	vand.u32 $0x7, v14;
	v15 =	vand.u32 $0xFFFFFFC0, v15  }
0x13a: {  	v14 =	vor.u32 v14, v15  }
0x13b: {  	v15 =	vperm.xlane v14, v10;
	_ =	sdelay $0x1  }
0x13c: {  	v15 =	vadd.s32 v11, v15;
	_ =	sdelay $0x4  }
0x13d: {  	[tilespmem:s17], [sflag:$0x4] =	stream.indirect_vreg.gather [hbm4b:s1+s4], $0x80, v15, vm0, $0xb8;
	[tilespmem:$0x1E080] =	vst v63  }
0x13e: {  	s19 =	simm.s32 $0xA880;
	v14 =	vperm.xlane v14, v12  }
0x13f: {  	[tilespmem:s19], [sflag:$0x4] =	stream.indirect_vreg.gather [hbm4b:s6+s4], $0x80, v15, vm0, $0xb8;
	[tilespmem:$0x1E080] =	vst v63  }
0x140: {  	s10 =	simm.s32 $0xB080;
	v14 =	vadd.s32 v11, v14  }
0x141: {  	[tilespmem:s10], [sflag:$0x4] =	stream.indirect_vreg.gather [hbm4b:s7+s4], $0x80, v15, vm0, $0xb8;
	[tilespmem:$0x1E080] =	vst v63  }
0x142: {  	s19 =	simm.s32 $0xB880  }
0x143: {  	[tilespmem:s19], [sflag:$0x4] =	stream.indirect_vreg.gather [hbm4b:s8+s4], $0x80, v15, vm0, $0xb8;
	[tilespmem:$0x1E080] =	vst v63  }
0x144: {  	s10 =	simm.s32 $0xC080  }
0x145: {  	[tilespmem:s10], [sflag:$0x4] =	stream.indirect_vreg.gather [hbm4b:s1+s4], $0x80, v14, vm0, $0xb8;
	[tilespmem:$0x1E080] =	vst v63  }
0x146: {  	s19 =	simm.s32 $0xC880  }
0x147: {  	[tilespmem:s19], [sflag:$0x4] =	stream.indirect_vreg.gather [hbm4b:s6+s4], $0x80, v14, vm0, $0xb8;
	[tilespmem:$0x1E080] =	vst v63  }
.Ltmp6:
0x148: {  	_ = 	snop;
	(pc) =	sbr.rel .LBB2_6-.Ltmp6, $4  }
0x149: {  	s10 =	simm.s32 $0xD080  }
0x14a: {  	[tilespmem:s10], [sflag:$0x4] =	stream.indirect_vreg.gather [hbm4b:s7+s4], $0x80, v14, vm0, $0xb8;
	[tilespmem:$0x1E080] =	vst v63  }
0x14b: {  	s9 =	simm.s32 $0xA080;
	s19 =	simm.s32 $0xD880  }
0x14c: {  	[tilespmem:s19], [sflag:$0x4] =	stream.indirect_vreg.gather [hbm4b:s8+s4], $0x80, v14, vm0, $0xb8;
	[tilespmem:$0x1E080] =	vst v63  }
.LBB2_5:
0x14d: {  	_ =	swait.ge [sflag:s25], $0x4000  }
0x14e: {  	[sflag:s25] =	ssyncset.done $0x0  }
0x14f: {  	s19 =	sadd.s32 s2, s11;
	[sflag:s25] =	ssyncadd.s32 $0xFFFFC000  }
0x150: {  	[hbm4b:s19+s4] =	stream.linear.scatter [tilespmem:s9], [sflag:$0xB], $0x4000, $0x38;
	[tilespmem:$0x1E080] =	vst v63  }
.LBB2_6:
.Ltmp7:
0x151: {  	(pc) =	sbr.rel @p0 .LBB2_8-.Ltmp7, $4  }
0x152: {  	_ =	swait.ge [sflag:s26], $0x4000  }
0x153: {  	[sflag:s26] =	ssyncset.done $0x0  }
0x154: {  	s19 =	sadd.s32 s2, s13;
	s17 =	simm.s32 $0xE080;
	[sflag:s26] =	ssyncadd.s32 $0xFFFFC000  }
0x155: {  	[hbm4b:s19+s4] =	stream.linear.scatter [tilespmem:s17], [sflag:$0xC], $0x4000, $0x38;
	[tilespmem:$0x1E080] =	vst v63  }
0x156: {  	s19 =	sadd.s32 $0xFFFFFFD0, s3  }
0x157: {  	v14 =	vadd.s32 s19, v13  }
0x158: {  	v14 =	vand.u32 $0x1FFF, v14  }
0x159: {  	s10 =	simm.s32 $0xC  }
0x15a: {  	_ =	swait.ge [sflag:s10], $0x4000  }
0x15b: {  	[sflag:s10] =	ssyncset.done $0x0  }
0x15c: {  	[sflag:s10] =	ssyncadd.s32 $0xFFFFC000  }
0x15d: {  	v14 =	vld.idx.msk [tilespmem:v14+s4+$0x0], $0xffff;
	_ =	sdelay $0x4  }
0x15e: {  	v15 =	vadd.s32 v2, v14  }
0x15f: {  	v15 =	vshll.u32 v15, $0x3  }
0x160: {  	v14 =	vand.u32 $0x7, v14;
	v15 =	vand.u32 $0xFFFFFFC0, v15  }
0x161: {  	v14 =	vor.u32 v14, v15  }
0x162: {  	v15 =	vperm.xlane v14, v10;
	_ =	sdelay $0x1  }
0x163: {  	v15 =	vadd.s32 v11, v15;
	_ =	sdelay $0x4  }
0x164: {  	[tilespmem:s17], [sflag:$0x5] =	stream.indirect_vreg.gather [hbm4b:s1+s4], $0x80, v15, vm0, $0xb8;
	[tilespmem:$0x1E080] =	vst v63  }
0x165: {  	s10 =	simm.s32 $0xE880;
	v14 =	vperm.xlane v14, v12  }
0x166: {  	[tilespmem:s10], [sflag:$0x5] =	stream.indirect_vreg.gather [hbm4b:s6+s4], $0x80, v15, vm0, $0xb8;
	[tilespmem:$0x1E080] =	vst v63  }
0x167: {  	s19 =	simm.s32 $0xF080;
	v14 =	vadd.s32 v11, v14  }
0x168: {  	[tilespmem:s19], [sflag:$0x5] =	stream.indirect_vreg.gather [hbm4b:s7+s4], $0x80, v15, vm0, $0xb8;
	[tilespmem:$0x1E080] =	vst v63  }
0x169: {  	s10 =	simm.s32 $0xF880  }
0x16a: {  	[tilespmem:s10], [sflag:$0x5] =	stream.indirect_vreg.gather [hbm4b:s8+s4], $0x80, v15, vm0, $0xb8;
	[tilespmem:$0x1E080] =	vst v63  }
0x16b: {  	s19 =	simm.s32 $0x10080  }
0x16c: {  	[tilespmem:s19], [sflag:$0x5] =	stream.indirect_vreg.gather [hbm4b:s1+s4], $0x80, v14, vm0, $0xb8;
	[tilespmem:$0x1E080] =	vst v63  }
0x16d: {  	s10 =	simm.s32 $0x10880  }
0x16e: {  	[tilespmem:s10], [sflag:$0x5] =	stream.indirect_vreg.gather [hbm4b:s6+s4], $0x80, v14, vm0, $0xb8;
	[tilespmem:$0x1E080] =	vst v63  }
0x16f: {  	s19 =	simm.s32 $0x11080  }
0x170: {  	[tilespmem:s19], [sflag:$0x5] =	stream.indirect_vreg.gather [hbm4b:s7+s4], $0x80, v14, vm0, $0xb8;
	[tilespmem:$0x1E080] =	vst v63  }
0x171: {  	s10 =	simm.s32 $0x11880  }
0x172: {  	[tilespmem:s10], [sflag:$0x5] =	stream.indirect_vreg.gather [hbm4b:s8+s4], $0x80, v14, vm0, $0xb8;
	[tilespmem:$0x1E080] =	vst v63  }
0x173: {  	s17 =	sadd.s32 $0xFFFFFFE0, s3;
	_ =	swait.ge [sflag:s28], $0x4000  }
0x174: {  	v14 =	vadd.s32 s17, v13;
	[sflag:s28] =	ssyncset.done $0x0;
	s19 =	rddreg [dreg:$0x8]  }
0x175: {  	s10 =	simm.s32 $0x12080;
	v14 =	vand.u32 $0x1FFF, v14;
	[sflag:s28] =	ssyncadd.s32 $0xFFFFC000;
	s17 =	sadd.s32 s2, s19  }
0x176: {  	[hbm4b:s17+s4] =	stream.linear.scatter [tilespmem:s10], [sflag:$0xD], $0x4000, $0x38;
	[tilespmem:$0x1E080] =	vst v63  }
0x177: {  	_ =	swait.ge [sflag:s21], $0x4000  }
0x178: {  	[sflag:s21] =	ssyncset.done $0x0  }
0x179: {  	[sflag:s21] =	ssyncadd.s32 $0xFFFFC000  }
0x17a: {  	v14 =	vld.idx.msk [tilespmem:v14+s4+$0x0], $0xffff;
	_ =	sdelay $0x4  }
0x17b: {  	v15 =	vadd.s32 v2, v14  }
0x17c: {  	v15 =	vshll.u32 v15, $0x3  }
0x17d: {  	v14 =	vand.u32 $0x7, v14;
	v15 =	vand.u32 $0xFFFFFFC0, v15  }
0x17e: {  	v14 =	vor.u32 v14, v15  }
0x17f: {  	v15 =	vperm.xlane v14, v10;
	_ =	sdelay $0x1  }
0x180: {  	v15 =	vadd.s32 v11, v15;
	_ =	sdelay $0x4  }
0x181: {  	[tilespmem:s10], [sflag:$0x6] =	stream.indirect_vreg.gather [hbm4b:s1+s4], $0x80, v15, vm0, $0xb8;
	[tilespmem:$0x1E080] =	vst v63  }
0x182: {  	s19 =	simm.s32 $0x12880;
	v14 =	vperm.xlane v14, v12  }
0x183: {  	[tilespmem:s19], [sflag:$0x6] =	stream.indirect_vreg.gather [hbm4b:s6+s4], $0x80, v15, vm0, $0xb8;
	[tilespmem:$0x1E080] =	vst v63  }
0x184: {  	v14 =	vadd.s32 v11, v14;
	s10 =	simm.s32 $0x13080  }
0x185: {  	[tilespmem:s10], [sflag:$0x6] =	stream.indirect_vreg.gather [hbm4b:s7+s4], $0x80, v15, vm0, $0xb8;
	[tilespmem:$0x1E080] =	vst v63  }
0x186: {  	s19 =	simm.s32 $0x13880  }
0x187: {  	[tilespmem:s19], [sflag:$0x6] =	stream.indirect_vreg.gather [hbm4b:s8+s4], $0x80, v15, vm0, $0xb8;
	[tilespmem:$0x1E080] =	vst v63  }
0x188: {  	s10 =	simm.s32 $0x14080  }
0x189: {  	[tilespmem:s10], [sflag:$0x6] =	stream.indirect_vreg.gather [hbm4b:s1+s4], $0x80, v14, vm0, $0xb8;
	[tilespmem:$0x1E080] =	vst v63  }
0x18a: {  	s19 =	simm.s32 $0x14880  }
0x18b: {  	[tilespmem:s19], [sflag:$0x6] =	stream.indirect_vreg.gather [hbm4b:s6+s4], $0x80, v14, vm0, $0xb8;
	[tilespmem:$0x1E080] =	vst v63  }
.Ltmp8:
0x18c: {  	_ = 	snop;
	(pc) =	sbr.rel .LBB2_9-.Ltmp8, $4  }
0x18d: {  	s10 =	simm.s32 $0x15080  }
0x18e: {  	[tilespmem:s10], [sflag:$0x6] =	stream.indirect_vreg.gather [hbm4b:s7+s4], $0x80, v14, vm0, $0xb8;
	[tilespmem:$0x1E080] =	vst v63  }
0x18f: {  	s30 =	simm.s32 $0x12080;
	s19 =	simm.s32 $0x15880  }
0x190: {  	[tilespmem:s19], [sflag:$0x6] =	stream.indirect_vreg.gather [hbm4b:s8+s4], $0x80, v14, vm0, $0xb8;
	[tilespmem:$0x1E080] =	vst v63  }
.LBB2_8:
0x191: {  	_ =	swait.ge [sflag:s28], $0x4000  }
0x192: {  	[sflag:s28] =	ssyncset.done $0x0;
	s10 =	rddreg [dreg:$0x8]  }
0x193: {  	[sflag:s28] =	ssyncadd.s32 $0xFFFFC000;
	s19 =	sadd.s32 s2, s10  }
0x194: {  	[hbm4b:s19+s4] =	stream.linear.scatter [tilespmem:s30], [sflag:$0xD], $0x4000, $0x38;
	[tilespmem:$0x1E080] =	vst v63  }
.LBB2_9:
.Ltmp9:
0x195: {  	(pc) =	sbr.rel @p0 .LBB2_11-.Ltmp9, $4  }
0x196: {  	_ =	swait.ge [sflag:s29], $0x4000  }
0x197: {  	[sflag:s29] =	ssyncset.done $0x0  }
0x198: {  	s19 =	sadd.s32 s2, s12;
	s17 =	simm.s32 $0x16080;
	[sflag:s29] =	ssyncadd.s32 $0xFFFFC000  }
0x199: {  	[hbm4b:s19+s4] =	stream.linear.scatter [tilespmem:s17], [sflag:$0xE], $0x4000, $0x38;
	[tilespmem:$0x1E080] =	vst v63  }
0x19a: {  	s19 =	sadd.s32 $0xFFFFFFF0, s3  }
0x19b: {  	v14 =	vadd.s32 s19, v13  }
0x19c: {  	v14 =	vand.u32 $0x1FFF, v14;
	_ =	sdelay $0x1  }
0x19d: {  	_ =	swait.ge [sflag:s22], $0x4000  }
0x19e: {  	[sflag:s22] =	ssyncset.done $0x0  }
0x19f: {  	[sflag:s22] =	ssyncadd.s32 $0xFFFFC000  }
0x1a0: {  	v14 =	vld.idx.msk [tilespmem:v14+s4+$0x0], $0xffff;
	_ =	sdelay $0x4  }
0x1a1: {  	v15 =	vadd.s32 v2, v14  }
0x1a2: {  	v15 =	vshll.u32 v15, $0x3  }
0x1a3: {  	v14 =	vand.u32 $0x7, v14;
	v15 =	vand.u32 $0xFFFFFFC0, v15  }
0x1a4: {  	v14 =	vor.u32 v14, v15  }
0x1a5: {  	v15 =	vperm.xlane v14, v10;
	_ =	sdelay $0x1  }
0x1a6: {  	v15 =	vadd.s32 v11, v15;
	_ =	sdelay $0x4  }
0x1a7: {  	[tilespmem:s17], [sflag:$0x7] =	stream.indirect_vreg.gather [hbm4b:s1+s4], $0x80, v15, vm0, $0xb8;
	[tilespmem:$0x1E080] =	vst v63  }
0x1a8: {  	s19 =	simm.s32 $0x16880;
	v14 =	vperm.xlane v14, v12  }
0x1a9: {  	[tilespmem:s19], [sflag:$0x7] =	stream.indirect_vreg.gather [hbm4b:s6+s4], $0x80, v15, vm0, $0xb8;
	[tilespmem:$0x1E080] =	vst v63  }
0x1aa: {  	v14 =	vadd.s32 v11, v14;
	s19 =	simm.s32 $0x17080  }
0x1ab: {  	[tilespmem:s19], [sflag:$0x7] =	stream.indirect_vreg.gather [hbm4b:s7+s4], $0x80, v15, vm0, $0xb8;
	[tilespmem:$0x1E080] =	vst v63  }
0x1ac: {  	s19 =	simm.s32 $0x17880  }
0x1ad: {  	[tilespmem:s19], [sflag:$0x7] =	stream.indirect_vreg.gather [hbm4b:s8+s4], $0x80, v15, vm0, $0xb8;
	[tilespmem:$0x1E080] =	vst v63  }
0x1ae: {  	s19 =	simm.s32 $0x18080  }
0x1af: {  	[tilespmem:s19], [sflag:$0x7] =	stream.indirect_vreg.gather [hbm4b:s1+s4], $0x80, v14, vm0, $0xb8;
	[tilespmem:$0x1E080] =	vst v63  }
0x1b0: {  	s19 =	simm.s32 $0x18880  }
0x1b1: {  	[tilespmem:s19], [sflag:$0x7] =	stream.indirect_vreg.gather [hbm4b:s6+s4], $0x80, v14, vm0, $0xb8;
	[tilespmem:$0x1E080] =	vst v63  }
0x1b2: {  	s19 =	simm.s32 $0x19080  }
0x1b3: {  	[tilespmem:s19], [sflag:$0x7] =	stream.indirect_vreg.gather [hbm4b:s7+s4], $0x80, v14, vm0, $0xb8;
	[tilespmem:$0x1E080] =	vst v63  }
0x1b4: {  	s19 =	simm.s32 $0x19880  }
0x1b5: {  	[tilespmem:s19], [sflag:$0x7] =	stream.indirect_vreg.gather [hbm4b:s8+s4], $0x80, v14, vm0, $0xb8;
	[tilespmem:$0x1E080] =	vst v63  }
0x1b6: {  	_ =	swait.ge [sflag:s16], $0x4000  }
0x1b7: {  	v14 =	vadd.s32 s3, v13;
	[sflag:s16] =	ssyncset.done $0x0;
	s19 =	rddreg [dreg:$0x7]  }
0x1b8: {  	s17 =	simm.s32 $0x1A080;
	v14 =	vand.u32 $0x1FFF, v14;
	[sflag:s16] =	ssyncadd.s32 $0xFFFFC000;
	s19 =	sadd.s32 s2, s19  }
0x1b9: {  	[hbm4b:s19+s4] =	stream.linear.scatter [tilespmem:s17], [sflag:$0xF], $0x4000, $0x38;
	[tilespmem:$0x1E080] =	vst v63  }
0x1ba: {  	_ =	swait.ge [sflag:s23], $0x4000  }
0x1bb: {  	[sflag:s23] =	ssyncset.done $0x0  }
0x1bc: {  	[sflag:s23] =	ssyncadd.s32 $0xFFFFC000  }
0x1bd: {  	v14 =	vld.idx.msk [tilespmem:v14+s4+$0x0], $0xffff;
	_ =	sdelay $0x4  }
0x1be: {  	v15 =	vadd.s32 v2, v14  }
0x1bf: {  	v15 =	vshll.u32 v15, $0x3  }
0x1c0: {  	v14 =	vand.u32 $0x7, v14;
	v15 =	vand.u32 $0xFFFFFFC0, v15  }
0x1c1: {  	v14 =	vor.u32 v14, v15  }
0x1c2: {  	v15 =	vperm.xlane v14, v10;
	_ =	sdelay $0x1  }
0x1c3: {  	v15 =	vadd.s32 v11, v15;
	_ =	sdelay $0x4  }
0x1c4: {  	[tilespmem:s17], [sflag:$0x8] =	stream.indirect_vreg.gather [hbm4b:s1+s4], $0x80, v15, vm0, $0xb8;
	[tilespmem:$0x1E080] =	vst v63  }
0x1c5: {  	s19 =	simm.s32 $0x1A880;
	v14 =	vperm.xlane v14, v12  }
0x1c6: {  	[tilespmem:s19], [sflag:$0x8] =	stream.indirect_vreg.gather [hbm4b:s6+s4], $0x80, v15, vm0, $0xb8;
	[tilespmem:$0x1E080] =	vst v63  }
0x1c7: {  	v14 =	vadd.s32 v11, v14;
	s19 =	simm.s32 $0x1B080  }
0x1c8: {  	[tilespmem:s19], [sflag:$0x8] =	stream.indirect_vreg.gather [hbm4b:s7+s4], $0x80, v15, vm0, $0xb8;
	[tilespmem:$0x1E080] =	vst v63  }
0x1c9: {  	s19 =	simm.s32 $0x1B880  }
0x1ca: {  	[tilespmem:s19], [sflag:$0x8] =	stream.indirect_vreg.gather [hbm4b:s8+s4], $0x80, v15, vm0, $0xb8;
	[tilespmem:$0x1E080] =	vst v63  }
0x1cb: {  	s19 =	simm.s32 $0x1C080  }
0x1cc: {  	[tilespmem:s19], [sflag:$0x8] =	stream.indirect_vreg.gather [hbm4b:s1+s4], $0x80, v14, vm0, $0xb8;
	[tilespmem:$0x1E080] =	vst v63  }
0x1cd: {  	s19 =	simm.s32 $0x1C880  }
0x1ce: {  	[tilespmem:s19], [sflag:$0x8] =	stream.indirect_vreg.gather [hbm4b:s6+s4], $0x80, v14, vm0, $0xb8;
	[tilespmem:$0x1E080] =	vst v63  }
.Ltmp10:
0x1cf: {  	_ = 	snop;
	(pc) =	sbr.rel .LBB2_12-.Ltmp10, $4  }
0x1d0: {  	s19 =	simm.s32 $0x1D080  }
0x1d1: {  	[tilespmem:s19], [sflag:$0x8] =	stream.indirect_vreg.gather [hbm4b:s7+s4], $0x80, v14, vm0, $0xb8;
	[tilespmem:$0x1E080] =	vst v63  }
0x1d2: {  	s10 =	simm.s32 $0x16080;
	s31 =	simm.s32 $0x1A080;
	s19 =	simm.s32 $0x1D880  }
0x1d3: {  	[tilespmem:s19], [sflag:$0x8] =	stream.indirect_vreg.gather [hbm4b:s8+s4], $0x80, v14, vm0, $0xb8;
	[tilespmem:$0x1E080] =	vst v63  }
.LBB2_14:
0x1d4: {  	_ =	sfence.sel $0x180000  }
0x1d5: {  	[bflag:$0x0] =	sbarrier.arrive $0xFFFF  }
0x1d6: {  	_ =	strace $0x90000047  }
0x1d7: {  	s0 =	stileid.u32;
	[bflag:$0x2] =	sbarrier.arrive $0xFFFF  }
0x1d8: {  	p0 =	sne.s32 s0, $0x0;
	s0 =	rddreg [dreg:$0x4]  }
0x1d9: {  	s0 =	sadd.s32 @!p0 $0x100000, s0  }
0x1da: {  	[sflag:s0] =	ssyncadd.tile.s32 @!p0 $0x1;
	_ =	shalt  }
.Lfunc_end2:
_tile_overlayer_lowered:
.L_overlay_start_2:
0x1db: {  	(tag) =	ssettag $0x2  }
0x1dc: {  	s0 =	rddreg [dreg:$0x0];
	s2 =	stileid.u32  }
0x1dd: {  	s1 =	rddreg [dreg:$0x1];
	p0 =	sne.s32 s2, $0x0  }
0x1de: {  	s3 =	rddreg [dreg:$0x2];
	[bflag:$0x3] =	sbarrier.arrive $0xFFFF;
	s2 =	simm.s32 @!p0 $0x1C10  }
0x1df: {  	[timem:s3], [sflag:s2] =	dma.local @!p0 [hbm:s0], s1  }
0x1e0: {  	s0 =	simm.s32 @!p0 $0x10  }
0x1e1: {  	_ =	swait.ge @!p0 [sflag:s0], s1  }
0x1e2: {  	s1 =	ssub.s32 @!p0 $0x0, s1;
	[sflag:s0] =	ssyncset.done @!p0 $0x0  }
0x1e3: {  	[sflag:s0] =	ssyncadd.s32 @!p0 s1  }
0x1e4: {  	[bflag:$0x3] =	sbarrier.arrive $0xFFFF  }
0x1e5: {  	_ =	shalt  }

</sc_bundles>
